<compile_context>
chip_gen: v7x
topology: tpu7x:2x2x1
jax: 0.10.2.dev20260603
libtpu: 0.0.44.dev20260713+nightly
codegen_flags: <defaults>
</compile_context>

<pallas_src>
import functools

import jax
import jax.numpy as jnp
from jax import lax
from jax.experimental import pallas as pl
from jax.experimental.pallas import tpu as pltpu
from jax.experimental.pallas import tpu_sc as plsc

B = 128
V = 100000
CV = 10000
GRID = V // CV


def _gather_target_vals(xt, targets):
    info = plsc.get_sparse_core_info()
    nc = info.num_cores
    mesh = plsc.VectorSubcoreMesh(core_axis_name="c", subcore_axis_name="s")

    @functools.partial(
        pl.kernel,
        mesh=mesh,
        out_type=jax.ShapeDtypeStruct((B,), jnp.float32),
        compiler_params=pltpu.CompilerParams(use_tc_tiling_on_sc=False),
        scratch_types=[
            pltpu.VMEM((16,), jnp.int32),
            pltpu.VMEM((16, B), jnp.float32),
            pltpu.VMEM((16,), jnp.float32),
            pltpu.SemaphoreType.DMA,
        ],
    )
    def gk(xt_hbm, tgt_hbm, v_hbm, tgt_v, rows_v, out_v, sem):
        wid = lax.axis_index("s") * nc + lax.axis_index("c")

        @pl.when(wid < B // 16)
        def _():
            base = wid * 16
            pltpu.sync_copy(tgt_hbm.at[pl.ds(base, 16)], tgt_v)
            pltpu.async_copy(xt_hbm.at[tgt_v[...]], rows_v, sem).wait()
            lane = lax.iota(jnp.int32, 16)
            acc = jnp.zeros((16,), jnp.float32)
            for l in range(16):
                r = base + l
                part = rows_v[l, pl.ds((r // 16) * 16, 16)]
                idx = jnp.full((16,), r % 16, jnp.int32)
                g = part.at[idx].get(mode="promise_in_bounds")
                acc = jnp.where(lane == l, g, acc)
            out_v[...] = acc
            pltpu.sync_copy(out_v, v_hbm.at[pl.ds(base, 16)])

    return gk(xt, targets)


def _count_body(x_ref, v_ref, t_ref, out1_ref, out5_ref, acc_ref):
    j = pl.program_id(0)

    @pl.when(j == 0)
    def _():
        acc_ref[...] = jnp.zeros_like(acc_ref)

    x = x_ref[...]
    v = v_ref[...]
    t = t_ref[...]
    row = j * CV + lax.broadcasted_iota(jnp.int32, (CV, B), 0)
    m = (x > v) | ((x == v) & (row < t))
    acc_ref[...] += jnp.sum(m, axis=0, keepdims=True)

    @pl.when(j == GRID - 1)
    def _():
        rank = acc_ref[...]
        out1_ref[0] = jnp.sum((rank < 1).astype(jnp.float32)) * (100.0 / B)
        out5_ref[0] = jnp.sum((rank < 5).astype(jnp.float32)) * (100.0 / B)


def kernel(outputs, targets):
    xt = outputs.T
    v = _gather_target_vals(xt, targets)
    out1, out5 = pl.pallas_call(
        _count_body,
        grid=(GRID,),
        in_specs=[
            pl.BlockSpec((CV, B), lambda j: (j, 0)),
            pl.BlockSpec((1, B), lambda j: (0, 0)),
            pl.BlockSpec((1, B), lambda j: (0, 0)),
        ],
        out_specs=[
            pl.BlockSpec(memory_space=pltpu.SMEM),
            pl.BlockSpec(memory_space=pltpu.SMEM),
        ],
        out_shape=[
            jax.ShapeDtypeStruct((1,), jnp.float32),
            jax.ShapeDtypeStruct((1,), jnp.float32),
        ],
        scratch_shapes=[pltpu.VMEM((1, B), jnp.int32)],
    )(xt, v.reshape(1, B), targets.reshape(1, B))
    return (out1, out5)

# --- scband reference (transcript-rebuilt; emitter-appended) ---
"""Pipeline reference for scband-accuracy-28570122453569 (READ-ONLY COPY).

The authoritative reference and input builder live on the scoring server;
editing this copy changes nothing except your own understanding.
"""

import jax, jax.numpy as jnp
import numpy as np

TOPK = (1, 5)

def setup_inputs(seed: int = 0) -> dict:
    key = jax.random.key(seed)
    k1, k2 = jax.random.split(key)
    outputs = jax.random.normal(k1, (128, 100000), dtype=jnp.float32)
    targets = jax.random.randint(k2, (128,), 0, 100000, dtype=jnp.int64 if jax.config.jax_enable_x64 else jnp.int32).astype(jnp.int32)
    return {"outputs": outputs, "targets": targets}

def reference(outputs, targets):
    maxk = max(TOPK)
    batch_size = targets.shape[0]
    # topk over dim 1, largest, sorted
    _, pred = jax.lax.top_k(outputs, maxk)  # [B, maxk]
    pred = pred.T  # [maxk, B]
    correct = (pred == jnp.broadcast_to(targets.reshape(1, -1), pred.shape))  # [maxk, B] bool
    res = []
    for k in TOPK:
        correct_k = correct[:k].reshape(-1).astype(jnp.float32).sum(keepdims=True)  # [1]
        res.append(correct_k * (100.0 / batch_size))
    return tuple(res)

if __name__ == "__main__":
    import jax
    _d = setup_inputs()
    print(jax.jit(kernel)(*tuple(_d.values())))

</pallas_src>

<mosaic_0001>
#map = affine_map<(d0, d1) -> (0, 0)>
#map1 = affine_map<(d0, d1) -> (0)>
module attributes {stable_mosaic.version = 14 : i64} {
  func.func @gk(%arg0: i32, %arg1: i32, %arg2: memref<100000x128xf32, #tpu.memory_space<hbm>>, %arg3: memref<128xi32, #tpu.memory_space<hbm>>, %arg4: memref<128xf32, #tpu.memory_space<hbm>>, %arg5: memref<16xi32, #tpu.memory_space<vmem>>, %arg6: memref<16x128xf32, #tpu.memory_space<vmem>>, %arg7: memref<16xf32, #tpu.memory_space<vmem>>, %arg8: memref<!tpu.dma_semaphore, #tpu.memory_space<semaphore_mem>>) attributes {dimension_semantics = [#tpu.dimension_semantics<core_parallel>, #tpu.dimension_semantics<subcore_parallel>], iteration_bounds = array<i64: 2, 16>, scalar_prefetch = 0 : i64, scratch_operands = 4 : i64, tpu.core_type = #tpu.core_type<sc_vector_subcore>, window_params = [{transform_indices = #map}, {transform_indices = #map1}, {transform_indices = #map1}]} {
    %mul3A = arith.constant 2 : i32
    %mul3A_0 = arith.muli %arg1, %mul3A : i32
    %add3A = arith.addi %mul3A_0, %arg0 : i32
    %lt3A = arith.constant 8 : i32
    %lt3A_1 = arith.cmpi slt, %add3A, %lt3A : i32
    %convert_element_type3A = arith.extui %lt3A_1 : i1 to i32
    %cond3A = arith.constant 0 : i32
    %cond3A_2 = arith.cmpi ne, %convert_element_type3A, %cond3A : i32
    scf.if %cond3A_2 {
      %mul3A_3 = arith.constant 16 : i32
      %mul3A_4 = arith.muli %add3A, %mul3A_3 : i32
      "tpu.region"() ({
        %run_scoped3A = tpu.sem_alloc : memref<!tpu.dma_semaphore, #tpu.memory_space<semaphore_mem>>
        %dma_start3A_1029 = tpu.memref_slice %arg3[%mul3A_4] : memref<128xi32, #tpu.memory_space<hbm>> -> memref<16xi32, #tpu.memory_space<hbm>>
        %dma_start3A_1030 = tpu.memref_slice %arg3[%mul3A_4] : memref<128xi32, #tpu.memory_space<hbm>> -> memref<16xi32, #tpu.memory_space<hbm>>
        tpu.enqueue_dma source(%dma_start3A_1030 : memref<16xi32, #tpu.memory_space<hbm>>) target(%arg5 : memref<16xi32, #tpu.memory_space<vmem>>) target_semaphore(%run_scoped3A : memref<!tpu.dma_semaphore, #tpu.memory_space<semaphore_mem>>)
        %dma_wait3A_1031 = tpu.memref_slice %arg3[%mul3A_4] : memref<128xi32, #tpu.memory_space<hbm>> -> memref<16xi32, #tpu.memory_space<hbm>>
        %dma_wait3A_1032 = tpu.memref_slice %arg3[%mul3A_4] : memref<128xi32, #tpu.memory_space<hbm>> -> memref<16xi32, #tpu.memory_space<hbm>>
        tpu.wait_dma2 semaphore(%run_scoped3A : memref<!tpu.dma_semaphore, #tpu.memory_space<semaphore_mem>>) src(%dma_wait3A_1032 : memref<16xi32, #tpu.memory_space<hbm>>) dst(%arg5 : memref<16xi32, #tpu.memory_space<vmem>>)
        tpu.yield
      }) : () -> ()
      %get3A = arith.constant 0 : index
      %get3A_5 = tpu.vector_load %arg5[%get3A] {strides = array<i32>} : memref<16xi32, #tpu.memory_space<vmem>>, vector<16xi32>,
      %get3A_6 = vector.shape_cast %get3A_5 : vector<16xi32> to vector<16xi32>
      %dma_start3A = arith.constant 0 : i32
      %dma_start3A_7 = arith.constant 0 : i32
      %dma_start3A_8 = tpu.memref_slice %arg2[%dma_start3A, %dma_start3A_7] : memref<100000x128xf32, #tpu.memory_space<hbm>> -> memref<100000x128xf32, #tpu.memory_space<hbm>>
      tpu.enqueue_indirect_dma source(%dma_start3A_8 : memref<100000x128xf32, #tpu.memory_space<hbm>>) target(%arg6 : memref<16x128xf32, #tpu.memory_space<vmem>>) offsets(%get3A_6 : vector<16xi32>) semaphore(%arg8 : memref<!tpu.dma_semaphore, #tpu.memory_space<semaphore_mem>>)
      %dma_wait3A = arith.constant 0 : i32
      %dma_wait3A_9 = arith.constant 0 : i32
      %dma_wait3A_10 = tpu.memref_slice %arg2[%dma_wait3A, %dma_wait3A_9] : memref<100000x128xf32, #tpu.memory_space<hbm>> -> memref<100000x128xf32, #tpu.memory_space<hbm>>
      tpu.wait_indirect_dma semaphore(%arg8 : memref<!tpu.dma_semaphore, #tpu.memory_space<semaphore_mem>>) src(%dma_wait3A_10 : memref<100000x128xf32, #tpu.memory_space<hbm>>) dst(%arg6 : memref<16x128xf32, #tpu.memory_space<vmem>>)
      %iota3A = tpu.iota {dimensions = array<i32: 0>} : vector<16xi32>
      %broadcast_in_dim3A = arith.constant 0.000000e+00 : f32
      %broadcast_in_dim3A_11 = vector.broadcast %broadcast_in_dim3A : f32 to vector<16xf32>
      %add3A_12 = arith.constant 0 : i32
      %add3A_13 = arith.addi %mul3A_4, %add3A_12 : i32
      %jit3A = arith.constant 16 : i32
      %div3A = arith.divsi %add3A_13, %jit3A : i32
      %sign3A = arith.constant 0 : i32
      %sign3A_14 = arith.cmpi sgt, %add3A_13, %sign3A : i32
      %sign3A_15 = arith.extui %sign3A_14 : i1 to i32
      %sign3A_16 = arith.constant 0 : i32
      %sign3A_17 = arith.cmpi slt, %add3A_13, %sign3A_16 : i32
      %sign3A_18 = arith.extui %sign3A_17 : i1 to i32
      %sign3A_19 = arith.subi %sign3A_15, %sign3A_18 : i32
      %sign3A_20 = arith.constant 0 : i32
      %sign3A_21 = arith.cmpi sgt, %jit3A, %sign3A_20 : i32
      %sign3A_22 = arith.extui %sign3A_21 : i1 to i32
      %sign3A_23 = arith.constant 0 : i32
      %sign3A_24 = arith.cmpi slt, %jit3A, %sign3A_23 : i32
      %sign3A_25 = arith.extui %sign3A_24 : i1 to i32
      %sign3A_26 = arith.subi %sign3A_22, %sign3A_25 : i32
      %ne3A = arith.cmpi ne, %sign3A_19, %sign3A_26 : i32
      %rem3A = arith.remsi %add3A_13, %jit3A : i32
      %ne3A_27 = arith.constant 0 : i32
      %ne3A_28 = arith.cmpi ne, %rem3A, %ne3A_27 : i32
      %and3A = arith.andi %ne3A, %ne3A_28 : i1
      %sub3A = arith.constant 1 : i32
      %sub3A_29 = arith.subi %div3A, %sub3A : i32
      %select_n3A = arith.select %and3A, %sub3A_29, %div3A : i32
      %mul3A_30 = arith.constant 16 : i32
      %mul3A_31 = arith.muli %select_n3A, %mul3A_30 : i32
      %get3A_32 = arith.constant 0 : i32
      %get3A_33 = arith.index_cast %get3A_32 : i32 to index
      %get3A_34 = arith.index_cast %mul3A_31 : i32 to index
      %get3A_35 = tpu.vector_load %arg6[%get3A_33, %get3A_34] {strides = array<i32>} : memref<16x128xf32, #tpu.memory_space<vmem>>, vector<1x16xf32>,
      %get3A_36 = vector.shape_cast %get3A_35 : vector<1x16xf32> to vector<16xf32>
      %jit3A_37 = arith.constant 16 : i32
      %eq3A = arith.constant 0 : i32
      %eq3A_38 = arith.cmpi eq, %jit3A_37, %eq3A : i32
      %jit3A_39 = arith.constant 1 : i32
      %select_n3A_40 = arith.select %eq3A_38, %jit3A_39, %jit3A_37 : i32
      %rem3A_41 = arith.remsi %add3A_13, %select_n3A_40 : i32
      %ne3A_42 = arith.constant 0 : i32
      %ne3A_43 = arith.cmpi ne, %rem3A_41, %ne3A_42 : i32
      %lt3A_44 = arith.constant 0 : i32
      %lt3A_45 = arith.cmpi slt, %rem3A_41, %lt3A_44 : i32
      %lt3A_46 = arith.constant 0 : i32
      %lt3A_47 = arith.cmpi slt, %select_n3A_40, %lt3A_46 : i32
      %ne3A_48 = arith.xori %lt3A_45, %lt3A_47 : i1
      %and3A_49 = arith.andi %ne3A_48, %ne3A_43 : i1
      %add3A_50 = arith.addi %rem3A_41, %select_n3A_40 : i32
      %select_n3A_51 = arith.select %and3A_49, %add3A_50, %rem3A_41 : i32
      %broadcast_in_dim3A_52 = vector.broadcast %select_n3A_51 : i32 to vector<16xi32>
      %lt3A_53 = arith.constant 0 : i32
      %lt3A_54 = vector.broadcast %lt3A_53 : i32 to vector<16xi32>
      %lt3A_55 = arith.cmpi slt, %broadcast_in_dim3A_52, %lt3A_54 : vector<16xi32>
      %add3A_56 = arith.constant 16 : i32
      %add3A_57 = vector.broadcast %add3A_56 : i32 to vector<16xi32>
      %add3A_58 = arith.addi %broadcast_in_dim3A_52, %add3A_57 : vector<16xi32>
      %select_n3A_59 = arith.select %lt3A_55, %add3A_58, %broadcast_in_dim3A_52 : vector<16xi1>, vector<16xi32>
      %broadcast_in_dim3A_60 = vector.shape_cast %select_n3A_59 : vector<16xi32> to vector<16x1xi32>
      %gather3A = vector.shape_cast %broadcast_in_dim3A_60 : vector<16x1xi32> to vector<16xi32>
      %gather3A_61 = tpu.dynamic_gather %get3A_36[%gather3A] in [0] : vector<16xf32>, vector<16xi32> -> vector<16xf32>
      %eq3A_62 = arith.constant 0 : i32
      %eq3A_63 = vector.broadcast %eq3A_62 : i32 to vector<16xi32>
      %eq3A_64 = arith.cmpi eq, %iota3A, %eq3A_63 : vector<16xi32>
      %select_n3A_65 = arith.select %eq3A_64, %gather3A_61, %broadcast_in_dim3A_11 : vector<16xi1>, vector<16xf32>
      %add3A_66 = arith.constant 1 : i32
      %add3A_67 = arith.addi %mul3A_4, %add3A_66 : i32
      %jit3A_68 = arith.constant 16 : i32
      %div3A_69 = arith.divsi %add3A_67, %jit3A_68 : i32
      %sign3A_70 = arith.constant 0 : i32
      %sign3A_71 = arith.cmpi sgt, %add3A_67, %sign3A_70 : i32
      %sign3A_72 = arith.extui %sign3A_71 : i1 to i32
      %sign3A_73 = arith.constant 0 : i32
      %sign3A_74 = arith.cmpi slt, %add3A_67, %sign3A_73 : i32
      %sign3A_75 = arith.extui %sign3A_74 : i1 to i32
      %sign3A_76 = arith.subi %sign3A_72, %sign3A_75 : i32
      %sign3A_77 = arith.constant 0 : i32
      %sign3A_78 = arith.cmpi sgt, %jit3A_68, %sign3A_77 : i32
      %sign3A_79 = arith.extui %sign3A_78 : i1 to i32
      %sign3A_80 = arith.constant 0 : i32
      %sign3A_81 = arith.cmpi slt, %jit3A_68, %sign3A_80 : i32
      %sign3A_82 = arith.extui %sign3A_81 : i1 to i32
      %sign3A_83 = arith.subi %sign3A_79, %sign3A_82 : i32
      %ne3A_84 = arith.cmpi ne, %sign3A_76, %sign3A_83 : i32
      %rem3A_85 = arith.remsi %add3A_67, %jit3A_68 : i32
      %ne3A_86 = arith.constant 0 : i32
      %ne3A_87 = arith.cmpi ne, %rem3A_85, %ne3A_86 : i32
      %and3A_88 = arith.andi %ne3A_84, %ne3A_87 : i1
      %sub3A_89 = arith.constant 1 : i32
      %sub3A_90 = arith.subi %div3A_69, %sub3A_89 : i32
      %select_n3A_91 = arith.select %and3A_88, %sub3A_90, %div3A_69 : i32
      %mul3A_92 = arith.constant 16 : i32
      %mul3A_93 = arith.muli %select_n3A_91, %mul3A_92 : i32
      %get3A_94 = arith.constant 1 : i32
      %get3A_95 = arith.index_cast %get3A_94 : i32 to index
      %get3A_96 = arith.index_cast %mul3A_93 : i32 to index
      %get3A_97 = tpu.vector_load %arg6[%get3A_95, %get3A_96] {strides = array<i32>} : memref<16x128xf32, #tpu.memory_space<vmem>>, vector<1x16xf32>,
      %get3A_98 = vector.shape_cast %get3A_97 : vector<1x16xf32> to vector<16xf32>
      %jit3A_99 = arith.constant 16 : i32
      %eq3A_100 = arith.constant 0 : i32
      %eq3A_101 = arith.cmpi eq, %jit3A_99, %eq3A_100 : i32
      %jit3A_102 = arith.constant 1 : i32
      %select_n3A_103 = arith.select %eq3A_101, %jit3A_102, %jit3A_99 : i32
      %rem3A_104 = arith.remsi %add3A_67, %select_n3A_103 : i32
      %ne3A_105 = arith.constant 0 : i32
      %ne3A_106 = arith.cmpi ne, %rem3A_104, %ne3A_105 : i32
      %lt3A_107 = arith.constant 0 : i32
      %lt3A_108 = arith.cmpi slt, %rem3A_104, %lt3A_107 : i32
      %lt3A_109 = arith.constant 0 : i32
      %lt3A_110 = arith.cmpi slt, %select_n3A_103, %lt3A_109 : i32
      %ne3A_111 = arith.xori %lt3A_108, %lt3A_110 : i1
      %and3A_112 = arith.andi %ne3A_111, %ne3A_106 : i1
      %add3A_113 = arith.addi %rem3A_104, %select_n3A_103 : i32
      %select_n3A_114 = arith.select %and3A_112, %add3A_113, %rem3A_104 : i32
      %broadcast_in_dim3A_115 = vector.broadcast %select_n3A_114 : i32 to vector<16xi32>
      %lt3A_116 = arith.constant 0 : i32
      %lt3A_117 = vector.broadcast %lt3A_116 : i32 to vector<16xi32>
      %lt3A_118 = arith.cmpi slt, %broadcast_in_dim3A_115, %lt3A_117 : vector<16xi32>
      %add3A_119 = arith.constant 16 : i32
      %add3A_120 = vector.broadcast %add3A_119 : i32 to vector<16xi32>
      %add3A_121 = arith.addi %broadcast_in_dim3A_115, %add3A_120 : vector<16xi32>
      %select_n3A_122 = arith.select %lt3A_118, %add3A_121, %broadcast_in_dim3A_115 : vector<16xi1>, vector<16xi32>
      %broadcast_in_dim3A_123 = vector.shape_cast %select_n3A_122 : vector<16xi32> to vector<16x1xi32>
      %gather3A_124 = vector.shape_cast %broadcast_in_dim3A_123 : vector<16x1xi32> to vector<16xi32>
      %gather3A_125 = tpu.dynamic_gather %get3A_98[%gather3A_124] in [0] : vector<16xf32>, vector<16xi32> -> vector<16xf32>
      %eq3A_126 = arith.constant 1 : i32
      %eq3A_127 = vector.broadcast %eq3A_126 : i32 to vector<16xi32>
      %eq3A_128 = arith.cmpi eq, %iota3A, %eq3A_127 : vector<16xi32>
      %select_n3A_129 = arith.select %eq3A_128, %gather3A_125, %select_n3A_65 : vector<16xi1>, vector<16xf32>
      %add3A_130 = arith.constant 2 : i32
      %add3A_131 = arith.addi %mul3A_4, %add3A_130 : i32
      %jit3A_132 = arith.constant 16 : i32
      %div3A_133 = arith.divsi %add3A_131, %jit3A_132 : i32
      %sign3A_134 = arith.constant 0 : i32
      %sign3A_135 = arith.cmpi sgt, %add3A_131, %sign3A_134 : i32
      %sign3A_136 = arith.extui %sign3A_135 : i1 to i32
      %sign3A_137 = arith.constant 0 : i32
      %sign3A_138 = arith.cmpi slt, %add3A_131, %sign3A_137 : i32
      %sign3A_139 = arith.extui %sign3A_138 : i1 to i32
      %sign3A_140 = arith.subi %sign3A_136, %sign3A_139 : i32
      %sign3A_141 = arith.constant 0 : i32
      %sign3A_142 = arith.cmpi sgt, %jit3A_132, %sign3A_141 : i32
      %sign3A_143 = arith.extui %sign3A_142 : i1 to i32
      %sign3A_144 = arith.constant 0 : i32
      %sign3A_145 = arith.cmpi slt, %jit3A_132, %sign3A_144 : i32
      %sign3A_146 = arith.extui %sign3A_145 : i1 to i32
      %sign3A_147 = arith.subi %sign3A_143, %sign3A_146 : i32
      %ne3A_148 = arith.cmpi ne, %sign3A_140, %sign3A_147 : i32
      %rem3A_149 = arith.remsi %add3A_131, %jit3A_132 : i32
      %ne3A_150 = arith.constant 0 : i32
      %ne3A_151 = arith.cmpi ne, %rem3A_149, %ne3A_150 : i32
      %and3A_152 = arith.andi %ne3A_148, %ne3A_151 : i1
      %sub3A_153 = arith.constant 1 : i32
      %sub3A_154 = arith.subi %div3A_133, %sub3A_153 : i32
      %select_n3A_155 = arith.select %and3A_152, %sub3A_154, %div3A_133 : i32
      %mul3A_156 = arith.constant 16 : i32
      %mul3A_157 = arith.muli %select_n3A_155, %mul3A_156 : i32
      %get3A_158 = arith.constant 2 : i32
      %get3A_159 = arith.index_cast %get3A_158 : i32 to index
      %get3A_160 = arith.index_cast %mul3A_157 : i32 to index
      %get3A_161 = tpu.vector_load %arg6[%get3A_159, %get3A_160] {strides = array<i32>} : memref<16x128xf32, #tpu.memory_space<vmem>>, vector<1x16xf32>,
      %get3A_162 = vector.shape_cast %get3A_161 : vector<1x16xf32> to vector<16xf32>
      %jit3A_163 = arith.constant 16 : i32
      %eq3A_164 = arith.constant 0 : i32
      %eq3A_165 = arith.cmpi eq, %jit3A_163, %eq3A_164 : i32
      %jit3A_166 = arith.constant 1 : i32
      %select_n3A_167 = arith.select %eq3A_165, %jit3A_166, %jit3A_163 : i32
      %rem3A_168 = arith.remsi %add3A_131, %select_n3A_167 : i32
      %ne3A_169 = arith.constant 0 : i32
      %ne3A_170 = arith.cmpi ne, %rem3A_168, %ne3A_169 : i32
      %lt3A_171 = arith.constant 0 : i32
      %lt3A_172 = arith.cmpi slt, %rem3A_168, %lt3A_171 : i32
      %lt3A_173 = arith.constant 0 : i32
      %lt3A_174 = arith.cmpi slt, %select_n3A_167, %lt3A_173 : i32
      %ne3A_175 = arith.xori %lt3A_172, %lt3A_174 : i1
      %and3A_176 = arith.andi %ne3A_175, %ne3A_170 : i1
      %add3A_177 = arith.addi %rem3A_168, %select_n3A_167 : i32
      %select_n3A_178 = arith.select %and3A_176, %add3A_177, %rem3A_168 : i32
      %broadcast_in_dim3A_179 = vector.broadcast %select_n3A_178 : i32 to vector<16xi32>
      %lt3A_180 = arith.constant 0 : i32
      %lt3A_181 = vector.broadcast %lt3A_180 : i32 to vector<16xi32>
      %lt3A_182 = arith.cmpi slt, %broadcast_in_dim3A_179, %lt3A_181 : vector<16xi32>
      %add3A_183 = arith.constant 16 : i32
      %add3A_184 = vector.broadcast %add3A_183 : i32 to vector<16xi32>
      %add3A_185 = arith.addi %broadcast_in_dim3A_179, %add3A_184 : vector<16xi32>
      %select_n3A_186 = arith.select %lt3A_182, %add3A_185, %broadcast_in_dim3A_179 : vector<16xi1>, vector<16xi32>
      %broadcast_in_dim3A_187 = vector.shape_cast %select_n3A_186 : vector<16xi32> to vector<16x1xi32>
      %gather3A_188 = vector.shape_cast %broadcast_in_dim3A_187 : vector<16x1xi32> to vector<16xi32>
      %gather3A_189 = tpu.dynamic_gather %get3A_162[%gather3A_188] in [0] : vector<16xf32>, vector<16xi32> -> vector<16xf32>
      %eq3A_190 = arith.constant 2 : i32
      %eq3A_191 = vector.broadcast %eq3A_190 : i32 to vector<16xi32>
      %eq3A_192 = arith.cmpi eq, %iota3A, %eq3A_191 : vector<16xi32>
      %select_n3A_193 = arith.select %eq3A_192, %gather3A_189, %select_n3A_129 : vector<16xi1>, vector<16xf32>
      %add3A_194 = arith.constant 3 : i32
      %add3A_195 = arith.addi %mul3A_4, %add3A_194 : i32
      %jit3A_196 = arith.constant 16 : i32
      %div3A_197 = arith.divsi %add3A_195, %jit3A_196 : i32
      %sign3A_198 = arith.constant 0 : i32
      %sign3A_199 = arith.cmpi sgt, %add3A_195, %sign3A_198 : i32
      %sign3A_200 = arith.extui %sign3A_199 : i1 to i32
      %sign3A_201 = arith.constant 0 : i32
      %sign3A_202 = arith.cmpi slt, %add3A_195, %sign3A_201 : i32
      %sign3A_203 = arith.extui %sign3A_202 : i1 to i32
      %sign3A_204 = arith.subi %sign3A_200, %sign3A_203 : i32
      %sign3A_205 = arith.constant 0 : i32
      %sign3A_206 = arith.cmpi sgt, %jit3A_196, %sign3A_205 : i32
      %sign3A_207 = arith.extui %sign3A_206 : i1 to i32
      %sign3A_208 = arith.constant 0 : i32
      %sign3A_209 = arith.cmpi slt, %jit3A_196, %sign3A_208 : i32
      %sign3A_210 = arith.extui %sign3A_209 : i1 to i32
      %sign3A_211 = arith.subi %sign3A_207, %sign3A_210 : i32
      %ne3A_212 = arith.cmpi ne, %sign3A_204, %sign3A_211 : i32
      %rem3A_213 = arith.remsi %add3A_195, %jit3A_196 : i32
      %ne3A_214 = arith.constant 0 : i32
      %ne3A_215 = arith.cmpi ne, %rem3A_213, %ne3A_214 : i32
      %and3A_216 = arith.andi %ne3A_212, %ne3A_215 : i1
      %sub3A_217 = arith.constant 1 : i32
      %sub3A_218 = arith.subi %div3A_197, %sub3A_217 : i32
      %select_n3A_219 = arith.select %and3A_216, %sub3A_218, %div3A_197 : i32
      %mul3A_220 = arith.constant 16 : i32
      %mul3A_221 = arith.muli %select_n3A_219, %mul3A_220 : i32
      %get3A_222 = arith.constant 3 : i32
      %get3A_223 = arith.index_cast %get3A_222 : i32 to index
      %get3A_224 = arith.index_cast %mul3A_221 : i32 to index
      %get3A_225 = tpu.vector_load %arg6[%get3A_223, %get3A_224] {strides = array<i32>} : memref<16x128xf32, #tpu.memory_space<vmem>>, vector<1x16xf32>,
      %get3A_226 = vector.shape_cast %get3A_225 : vector<1x16xf32> to vector<16xf32>
      %jit3A_227 = arith.constant 16 : i32
      %eq3A_228 = arith.constant 0 : i32
      %eq3A_229 = arith.cmpi eq, %jit3A_227, %eq3A_228 : i32
      %jit3A_230 = arith.constant 1 : i32
      %select_n3A_231 = arith.select %eq3A_229, %jit3A_230, %jit3A_227 : i32
      %rem3A_232 = arith.remsi %add3A_195, %select_n3A_231 : i32
      %ne3A_233 = arith.constant 0 : i32
      %ne3A_234 = arith.cmpi ne, %rem3A_232, %ne3A_233 : i32
      %lt3A_235 = arith.constant 0 : i32
      %lt3A_236 = arith.cmpi slt, %rem3A_232, %lt3A_235 : i32
      %lt3A_237 = arith.constant 0 : i32
      %lt3A_238 = arith.cmpi slt, %select_n3A_231, %lt3A_237 : i32
      %ne3A_239 = arith.xori %lt3A_236, %lt3A_238 : i1
      %and3A_240 = arith.andi %ne3A_239, %ne3A_234 : i1
      %add3A_241 = arith.addi %rem3A_232, %select_n3A_231 : i32
      %select_n3A_242 = arith.select %and3A_240, %add3A_241, %rem3A_232 : i32
      %broadcast_in_dim3A_243 = vector.broadcast %select_n3A_242 : i32 to vector<16xi32>
      %lt3A_244 = arith.constant 0 : i32
      %lt3A_245 = vector.broadcast %lt3A_244 : i32 to vector<16xi32>
      %lt3A_246 = arith.cmpi slt, %broadcast_in_dim3A_243, %lt3A_245 : vector<16xi32>
      %add3A_247 = arith.constant 16 : i32
      %add3A_248 = vector.broadcast %add3A_247 : i32 to vector<16xi32>
      %add3A_249 = arith.addi %broadcast_in_dim3A_243, %add3A_248 : vector<16xi32>
      %select_n3A_250 = arith.select %lt3A_246, %add3A_249, %broadcast_in_dim3A_243 : vector<16xi1>, vector<16xi32>
      %broadcast_in_dim3A_251 = vector.shape_cast %select_n3A_250 : vector<16xi32> to vector<16x1xi32>
      %gather3A_252 = vector.shape_cast %broadcast_in_dim3A_251 : vector<16x1xi32> to vector<16xi32>
      %gather3A_253 = tpu.dynamic_gather %get3A_226[%gather3A_252] in [0] : vector<16xf32>, vector<16xi32> -> vector<16xf32>
      %eq3A_254 = arith.constant 3 : i32
      %eq3A_255 = vector.broadcast %eq3A_254 : i32 to vector<16xi32>
      %eq3A_256 = arith.cmpi eq, %iota3A, %eq3A_255 : vector<16xi32>
      %select_n3A_257 = arith.select %eq3A_256, %gather3A_253, %select_n3A_193 : vector<16xi1>, vector<16xf32>
      %add3A_258 = arith.constant 4 : i32
      %add3A_259 = arith.addi %mul3A_4, %add3A_258 : i32
      %jit3A_260 = arith.constant 16 : i32
      %div3A_261 = arith.divsi %add3A_259, %jit3A_260 : i32
      %sign3A_262 = arith.constant 0 : i32
      %sign3A_263 = arith.cmpi sgt, %add3A_259, %sign3A_262 : i32
      %sign3A_264 = arith.extui %sign3A_263 : i1 to i32
      %sign3A_265 = arith.constant 0 : i32
      %sign3A_266 = arith.cmpi slt, %add3A_259, %sign3A_265 : i32
      %sign3A_267 = arith.extui %sign3A_266 : i1 to i32
      %sign3A_268 = arith.subi %sign3A_264, %sign3A_267 : i32
      %sign3A_269 = arith.constant 0 : i32
      %sign3A_270 = arith.cmpi sgt, %jit3A_260, %sign3A_269 : i32
      %sign3A_271 = arith.extui %sign3A_270 : i1 to i32
      %sign3A_272 = arith.constant 0 : i32
      %sign3A_273 = arith.cmpi slt, %jit3A_260, %sign3A_272 : i32
      %sign3A_274 = arith.extui %sign3A_273 : i1 to i32
      %sign3A_275 = arith.subi %sign3A_271, %sign3A_274 : i32
      %ne3A_276 = arith.cmpi ne, %sign3A_268, %sign3A_275 : i32
      %rem3A_277 = arith.remsi %add3A_259, %jit3A_260 : i32
      %ne3A_278 = arith.constant 0 : i32
      %ne3A_279 = arith.cmpi ne, %rem3A_277, %ne3A_278 : i32
      %and3A_280 = arith.andi %ne3A_276, %ne3A_279 : i1
      %sub3A_281 = arith.constant 1 : i32
      %sub3A_282 = arith.subi %div3A_261, %sub3A_281 : i32
      %select_n3A_283 = arith.select %and3A_280, %sub3A_282, %div3A_261 : i32
      %mul3A_284 = arith.constant 16 : i32
      %mul3A_285 = arith.muli %select_n3A_283, %mul3A_284 : i32
      %get3A_286 = arith.constant 4 : i32
      %get3A_287 = arith.index_cast %get3A_286 : i32 to index
      %get3A_288 = arith.index_cast %mul3A_285 : i32 to index
      %get3A_289 = tpu.vector_load %arg6[%get3A_287, %get3A_288] {strides = array<i32>} : memref<16x128xf32, #tpu.memory_space<vmem>>, vector<1x16xf32>,
      %get3A_290 = vector.shape_cast %get3A_289 : vector<1x16xf32> to vector<16xf32>
      %jit3A_291 = arith.constant 16 : i32
      %eq3A_292 = arith.constant 0 : i32
      %eq3A_293 = arith.cmpi eq, %jit3A_291, %eq3A_292 : i32
      %jit3A_294 = arith.constant 1 : i32
      %select_n3A_295 = arith.select %eq3A_293, %jit3A_294, %jit3A_291 : i32
      %rem3A_296 = arith.remsi %add3A_259, %select_n3A_295 : i32
      %ne3A_297 = arith.constant 0 : i32
      %ne3A_298 = arith.cmpi ne, %rem3A_296, %ne3A_297 : i32
      %lt3A_299 = arith.constant 0 : i32
      %lt3A_300 = arith.cmpi slt, %rem3A_296, %lt3A_299 : i32
      %lt3A_301 = arith.constant 0 : i32
      %lt3A_302 = arith.cmpi slt, %select_n3A_295, %lt3A_301 : i32
      %ne3A_303 = arith.xori %lt3A_300, %lt3A_302 : i1
      %and3A_304 = arith.andi %ne3A_303, %ne3A_298 : i1
      %add3A_305 = arith.addi %rem3A_296, %select_n3A_295 : i32
      %select_n3A_306 = arith.select %and3A_304, %add3A_305, %rem3A_296 : i32
      %broadcast_in_dim3A_307 = vector.broadcast %select_n3A_306 : i32 to vector<16xi32>
      %lt3A_308 = arith.constant 0 : i32
      %lt3A_309 = vector.broadcast %lt3A_308 : i32 to vector<16xi32>
      %lt3A_310 = arith.cmpi slt, %broadcast_in_dim3A_307, %lt3A_309 : vector<16xi32>
      %add3A_311 = arith.constant 16 : i32
      %add3A_312 = vector.broadcast %add3A_311 : i32 to vector<16xi32>
      %add3A_313 = arith.addi %broadcast_in_dim3A_307, %add3A_312 : vector<16xi32>
      %select_n3A_314 = arith.select %lt3A_310, %add3A_313, %broadcast_in_dim3A_307 : vector<16xi1>, vector<16xi32>
      %broadcast_in_dim3A_315 = vector.shape_cast %select_n3A_314 : vector<16xi32> to vector<16x1xi32>
      %gather3A_316 = vector.shape_cast %broadcast_in_dim3A_315 : vector<16x1xi32> to vector<16xi32>
      %gather3A_317 = tpu.dynamic_gather %get3A_290[%gather3A_316] in [0] : vector<16xf32>, vector<16xi32> -> vector<16xf32>
      %eq3A_318 = arith.constant 4 : i32
      %eq3A_319 = vector.broadcast %eq3A_318 : i32 to vector<16xi32>
      %eq3A_320 = arith.cmpi eq, %iota3A, %eq3A_319 : vector<16xi32>
      %select_n3A_321 = arith.select %eq3A_320, %gather3A_317, %select_n3A_257 : vector<16xi1>, vector<16xf32>
      %add3A_322 = arith.constant 5 : i32
      %add3A_323 = arith.addi %mul3A_4, %add3A_322 : i32
      %jit3A_324 = arith.constant 16 : i32
      %div3A_325 = arith.divsi %add3A_323, %jit3A_324 : i32
      %sign3A_326 = arith.constant 0 : i32
      %sign3A_327 = arith.cmpi sgt, %add3A_323, %sign3A_326 : i32
      %sign3A_328 = arith.extui %sign3A_327 : i1 to i32
      %sign3A_329 = arith.constant 0 : i32
      %sign3A_330 = arith.cmpi slt, %add3A_323, %sign3A_329 : i32
      %sign3A_331 = arith.extui %sign3A_330 : i1 to i32
      %sign3A_332 = arith.subi %sign3A_328, %sign3A_331 : i32
      %sign3A_333 = arith.constant 0 : i32
      %sign3A_334 = arith.cmpi sgt, %jit3A_324, %sign3A_333 : i32
      %sign3A_335 = arith.extui %sign3A_334 : i1 to i32
      %sign3A_336 = arith.constant 0 : i32
      %sign3A_337 = arith.cmpi slt, %jit3A_324, %sign3A_336 : i32
      %sign3A_338 = arith.extui %sign3A_337 : i1 to i32
      %sign3A_339 = arith.subi %sign3A_335, %sign3A_338 : i32
      %ne3A_340 = arith.cmpi ne, %sign3A_332, %sign3A_339 : i32
      %rem3A_341 = arith.remsi %add3A_323, %jit3A_324 : i32
      %ne3A_342 = arith.constant 0 : i32
      %ne3A_343 = arith.cmpi ne, %rem3A_341, %ne3A_342 : i32
      %and3A_344 = arith.andi %ne3A_340, %ne3A_343 : i1
      %sub3A_345 = arith.constant 1 : i32
      %sub3A_346 = arith.subi %div3A_325, %sub3A_345 : i32
      %select_n3A_347 = arith.select %and3A_344, %sub3A_346, %div3A_325 : i32
      %mul3A_348 = arith.constant 16 : i32
      %mul3A_349 = arith.muli %select_n3A_347, %mul3A_348 : i32
      %get3A_350 = arith.constant 5 : i32
      %get3A_351 = arith.index_cast %get3A_350 : i32 to index
      %get3A_352 = arith.index_cast %mul3A_349 : i32 to index
      %get3A_353 = tpu.vector_load %arg6[%get3A_351, %get3A_352] {strides = array<i32>} : memref<16x128xf32, #tpu.memory_space<vmem>>, vector<1x16xf32>,
      %get3A_354 = vector.shape_cast %get3A_353 : vector<1x16xf32> to vector<16xf32>
      %jit3A_355 = arith.constant 16 : i32
      %eq3A_356 = arith.constant 0 : i32
      %eq3A_357 = arith.cmpi eq, %jit3A_355, %eq3A_356 : i32
      %jit3A_358 = arith.constant 1 : i32
      %select_n3A_359 = arith.select %eq3A_357, %jit3A_358, %jit3A_355 : i32
      %rem3A_360 = arith.remsi %add3A_323, %select_n3A_359 : i32
      %ne3A_361 = arith.constant 0 : i32
      %ne3A_362 = arith.cmpi ne, %rem3A_360, %ne3A_361 : i32
      %lt3A_363 = arith.constant 0 : i32
      %lt3A_364 = arith.cmpi slt, %rem3A_360, %lt3A_363 : i32
      %lt3A_365 = arith.constant 0 : i32
      %lt3A_366 = arith.cmpi slt, %select_n3A_359, %lt3A_365 : i32
      %ne3A_367 = arith.xori %lt3A_364, %lt3A_366 : i1
      %and3A_368 = arith.andi %ne3A_367, %ne3A_362 : i1
      %add3A_369 = arith.addi %rem3A_360, %select_n3A_359 : i32
      %select_n3A_370 = arith.select %and3A_368, %add3A_369, %rem3A_360 : i32
      %broadcast_in_dim3A_371 = vector.broadcast %select_n3A_370 : i32 to vector<16xi32>
      %lt3A_372 = arith.constant 0 : i32
      %lt3A_373 = vector.broadcast %lt3A_372 : i32 to vector<16xi32>
      %lt3A_374 = arith.cmpi slt, %broadcast_in_dim3A_371, %lt3A_373 : vector<16xi32>
      %add3A_375 = arith.constant 16 : i32
      %add3A_376 = vector.broadcast %add3A_375 : i32 to vector<16xi32>
      %add3A_377 = arith.addi %broadcast_in_dim3A_371, %add3A_376 : vector<16xi32>
      %select_n3A_378 = arith.select %lt3A_374, %add3A_377, %broadcast_in_dim3A_371 : vector<16xi1>, vector<16xi32>
      %broadcast_in_dim3A_379 = vector.shape_cast %select_n3A_378 : vector<16xi32> to vector<16x1xi32>
      %gather3A_380 = vector.shape_cast %broadcast_in_dim3A_379 : vector<16x1xi32> to vector<16xi32>
      %gather3A_381 = tpu.dynamic_gather %get3A_354[%gather3A_380] in [0] : vector<16xf32>, vector<16xi32> -> vector<16xf32>
      %eq3A_382 = arith.constant 5 : i32
      %eq3A_383 = vector.broadcast %eq3A_382 : i32 to vector<16xi32>
      %eq3A_384 = arith.cmpi eq, %iota3A, %eq3A_383 : vector<16xi32>
      %select_n3A_385 = arith.select %eq3A_384, %gather3A_381, %select_n3A_321 : vector<16xi1>, vector<16xf32>
      %add3A_386 = arith.constant 6 : i32
      %add3A_387 = arith.addi %mul3A_4, %add3A_386 : i32
      %jit3A_388 = arith.constant 16 : i32
      %div3A_389 = arith.divsi %add3A_387, %jit3A_388 : i32
      %sign3A_390 = arith.constant 0 : i32
      %sign3A_391 = arith.cmpi sgt, %add3A_387, %sign3A_390 : i32
      %sign3A_392 = arith.extui %sign3A_391 : i1 to i32
      %sign3A_393 = arith.constant 0 : i32
      %sign3A_394 = arith.cmpi slt, %add3A_387, %sign3A_393 : i32
      %sign3A_395 = arith.extui %sign3A_394 : i1 to i32
      %sign3A_396 = arith.subi %sign3A_392, %sign3A_395 : i32
      %sign3A_397 = arith.constant 0 : i32
      %sign3A_398 = arith.cmpi sgt, %jit3A_388, %sign3A_397 : i32
      %sign3A_399 = arith.extui %sign3A_398 : i1 to i32
      %sign3A_400 = arith.constant 0 : i32
      %sign3A_401 = arith.cmpi slt, %jit3A_388, %sign3A_400 : i32
      %sign3A_402 = arith.extui %sign3A_401 : i1 to i32
      %sign3A_403 = arith.subi %sign3A_399, %sign3A_402 : i32
      %ne3A_404 = arith.cmpi ne, %sign3A_396, %sign3A_403 : i32
      %rem3A_405 = arith.remsi %add3A_387, %jit3A_388 : i32
      %ne3A_406 = arith.constant 0 : i32
      %ne3A_407 = arith.cmpi ne, %rem3A_405, %ne3A_406 : i32
      %and3A_408 = arith.andi %ne3A_404, %ne3A_407 : i1
      %sub3A_409 = arith.constant 1 : i32
      %sub3A_410 = arith.subi %div3A_389, %sub3A_409 : i32
      %select_n3A_411 = arith.select %and3A_408, %sub3A_410, %div3A_389 : i32
      %mul3A_412 = arith.constant 16 : i32
      %mul3A_413 = arith.muli %select_n3A_411, %mul3A_412 : i32
      %get3A_414 = arith.constant 6 : i32
      %get3A_415 = arith.index_cast %get3A_414 : i32 to index
      %get3A_416 = arith.index_cast %mul3A_413 : i32 to index
      %get3A_417 = tpu.vector_load %arg6[%get3A_415, %get3A_416] {strides = array<i32>} : memref<16x128xf32, #tpu.memory_space<vmem>>, vector<1x16xf32>,
      %get3A_418 = vector.shape_cast %get3A_417 : vector<1x16xf32> to vector<16xf32>
      %jit3A_419 = arith.constant 16 : i32
      %eq3A_420 = arith.constant 0 : i32
      %eq3A_421 = arith.cmpi eq, %jit3A_419, %eq3A_420 : i32
      %jit3A_422 = arith.constant 1 : i32
      %select_n3A_423 = arith.select %eq3A_421, %jit3A_422, %jit3A_419 : i32
      %rem3A_424 = arith.remsi %add3A_387, %select_n3A_423 : i32
      %ne3A_425 = arith.constant 0 : i32
      %ne3A_426 = arith.cmpi ne, %rem3A_424, %ne3A_425 : i32
      %lt3A_427 = arith.constant 0 : i32
      %lt3A_428 = arith.cmpi slt, %rem3A_424, %lt3A_427 : i32
      %lt3A_429 = arith.constant 0 : i32
      %lt3A_430 = arith.cmpi slt, %select_n3A_423, %lt3A_429 : i32
      %ne3A_431 = arith.xori %lt3A_428, %lt3A_430 : i1
      %and3A_432 = arith.andi %ne3A_431, %ne3A_426 : i1
      %add3A_433 = arith.addi %rem3A_424, %select_n3A_423 : i32
      %select_n3A_434 = arith.select %and3A_432, %add3A_433, %rem3A_424 : i32
      %broadcast_in_dim3A_435 = vector.broadcast %select_n3A_434 : i32 to vector<16xi32>
      %lt3A_436 = arith.constant 0 : i32
      %lt3A_437 = vector.broadcast %lt3A_436 : i32 to vector<16xi32>
      %lt3A_438 = arith.cmpi slt, %broadcast_in_dim3A_435, %lt3A_437 : vector<16xi32>
      %add3A_439 = arith.constant 16 : i32
      %add3A_440 = vector.broadcast %add3A_439 : i32 to vector<16xi32>
      %add3A_441 = arith.addi %broadcast_in_dim3A_435, %add3A_440 : vector<16xi32>
      %select_n3A_442 = arith.select %lt3A_438, %add3A_441, %broadcast_in_dim3A_435 : vector<16xi1>, vector<16xi32>
      %broadcast_in_dim3A_443 = vector.shape_cast %select_n3A_442 : vector<16xi32> to vector<16x1xi32>
      %gather3A_444 = vector.shape_cast %broadcast_in_dim3A_443 : vector<16x1xi32> to vector<16xi32>
      %gather3A_445 = tpu.dynamic_gather %get3A_418[%gather3A_444] in [0] : vector<16xf32>, vector<16xi32> -> vector<16xf32>
      %eq3A_446 = arith.constant 6 : i32
      %eq3A_447 = vector.broadcast %eq3A_446 : i32 to vector<16xi32>
      %eq3A_448 = arith.cmpi eq, %iota3A, %eq3A_447 : vector<16xi32>
      %select_n3A_449 = arith.select %eq3A_448, %gather3A_445, %select_n3A_385 : vector<16xi1>, vector<16xf32>
      %add3A_450 = arith.constant 7 : i32
      %add3A_451 = arith.addi %mul3A_4, %add3A_450 : i32
      %jit3A_452 = arith.constant 16 : i32
      %div3A_453 = arith.divsi %add3A_451, %jit3A_452 : i32
      %sign3A_454 = arith.constant 0 : i32
      %sign3A_455 = arith.cmpi sgt, %add3A_451, %sign3A_454 : i32
      %sign3A_456 = arith.extui %sign3A_455 : i1 to i32
      %sign3A_457 = arith.constant 0 : i32
      %sign3A_458 = arith.cmpi slt, %add3A_451, %sign3A_457 : i32
      %sign3A_459 = arith.extui %sign3A_458 : i1 to i32
      %sign3A_460 = arith.subi %sign3A_456, %sign3A_459 : i32
      %sign3A_461 = arith.constant 0 : i32
      %sign3A_462 = arith.cmpi sgt, %jit3A_452, %sign3A_461 : i32
      %sign3A_463 = arith.extui %sign3A_462 : i1 to i32
      %sign3A_464 = arith.constant 0 : i32
      %sign3A_465 = arith.cmpi slt, %jit3A_452, %sign3A_464 : i32
      %sign3A_466 = arith.extui %sign3A_465 : i1 to i32
      %sign3A_467 = arith.subi %sign3A_463, %sign3A_466 : i32
      %ne3A_468 = arith.cmpi ne, %sign3A_460, %sign3A_467 : i32
      %rem3A_469 = arith.remsi %add3A_451, %jit3A_452 : i32
      %ne3A_470 = arith.constant 0 : i32
      %ne3A_471 = arith.cmpi ne, %rem3A_469, %ne3A_470 : i32
      %and3A_472 = arith.andi %ne3A_468, %ne3A_471 : i1
      %sub3A_473 = arith.constant 1 : i32
      %sub3A_474 = arith.subi %div3A_453, %sub3A_473 : i32
      %select_n3A_475 = arith.select %and3A_472, %sub3A_474, %div3A_453 : i32
      %mul3A_476 = arith.constant 16 : i32
      %mul3A_477 = arith.muli %select_n3A_475, %mul3A_476 : i32
      %get3A_478 = arith.constant 7 : i32
      %get3A_479 = arith.index_cast %get3A_478 : i32 to index
      %get3A_480 = arith.index_cast %mul3A_477 : i32 to index
      %get3A_481 = tpu.vector_load %arg6[%get3A_479, %get3A_480] {strides = array<i32>} : memref<16x128xf32, #tpu.memory_space<vmem>>, vector<1x16xf32>,
      %get3A_482 = vector.shape_cast %get3A_481 : vector<1x16xf32> to vector<16xf32>
      %jit3A_483 = arith.constant 16 : i32
      %eq3A_484 = arith.constant 0 : i32
      %eq3A_485 = arith.cmpi eq, %jit3A_483, %eq3A_484 : i32
      %jit3A_486 = arith.constant 1 : i32
      %select_n3A_487 = arith.select %eq3A_485, %jit3A_486, %jit3A_483 : i32
      %rem3A_488 = arith.remsi %add3A_451, %select_n3A_487 : i32
      %ne3A_489 = arith.constant 0 : i32
      %ne3A_490 = arith.cmpi ne, %rem3A_488, %ne3A_489 : i32
      %lt3A_491 = arith.constant 0 : i32
      %lt3A_492 = arith.cmpi slt, %rem3A_488, %lt3A_491 : i32
      %lt3A_493 = arith.constant 0 : i32
      %lt3A_494 = arith.cmpi slt, %select_n3A_487, %lt3A_493 : i32
      %ne3A_495 = arith.xori %lt3A_492, %lt3A_494 : i1
      %and3A_496 = arith.andi %ne3A_495, %ne3A_490 : i1
      %add3A_497 = arith.addi %rem3A_488, %select_n3A_487 : i32
      %select_n3A_498 = arith.select %and3A_496, %add3A_497, %rem3A_488 : i32
      %broadcast_in_dim3A_499 = vector.broadcast %select_n3A_498 : i32 to vector<16xi32>
      %lt3A_500 = arith.constant 0 : i32
      %lt3A_501 = vector.broadcast %lt3A_500 : i32 to vector<16xi32>
      %lt3A_502 = arith.cmpi slt, %broadcast_in_dim3A_499, %lt3A_501 : vector<16xi32>
      %add3A_503 = arith.constant 16 : i32
      %add3A_504 = vector.broadcast %add3A_503 : i32 to vector<16xi32>
      %add3A_505 = arith.addi %broadcast_in_dim3A_499, %add3A_504 : vector<16xi32>
      %select_n3A_506 = arith.select %lt3A_502, %add3A_505, %broadcast_in_dim3A_499 : vector<16xi1>, vector<16xi32>
      %broadcast_in_dim3A_507 = vector.shape_cast %select_n3A_506 : vector<16xi32> to vector<16x1xi32>
      %gather3A_508 = vector.shape_cast %broadcast_in_dim3A_507 : vector<16x1xi32> to vector<16xi32>
      %gather3A_509 = tpu.dynamic_gather %get3A_482[%gather3A_508] in [0] : vector<16xf32>, vector<16xi32> -> vector<16xf32>
      %eq3A_510 = arith.constant 7 : i32
      %eq3A_511 = vector.broadcast %eq3A_510 : i32 to vector<16xi32>
      %eq3A_512 = arith.cmpi eq, %iota3A, %eq3A_511 : vector<16xi32>
      %select_n3A_513 = arith.select %eq3A_512, %gather3A_509, %select_n3A_449 : vector<16xi1>, vector<16xf32>
      %add3A_514 = arith.constant 8 : i32
      %add3A_515 = arith.addi %mul3A_4, %add3A_514 : i32
      %jit3A_516 = arith.constant 16 : i32
      %div3A_517 = arith.divsi %add3A_515, %jit3A_516 : i32
      %sign3A_518 = arith.constant 0 : i32
      %sign3A_519 = arith.cmpi sgt, %add3A_515, %sign3A_518 : i32
      %sign3A_520 = arith.extui %sign3A_519 : i1 to i32
      %sign3A_521 = arith.constant 0 : i32
      %sign3A_522 = arith.cmpi slt, %add3A_515, %sign3A_521 : i32
      %sign3A_523 = arith.extui %sign3A_522 : i1 to i32
      %sign3A_524 = arith.subi %sign3A_520, %sign3A_523 : i32
      %sign3A_525 = arith.constant 0 : i32
      %sign3A_526 = arith.cmpi sgt, %jit3A_516, %sign3A_525 : i32
      %sign3A_527 = arith.extui %sign3A_526 : i1 to i32
      %sign3A_528 = arith.constant 0 : i32
      %sign3A_529 = arith.cmpi slt, %jit3A_516, %sign3A_528 : i32
      %sign3A_530 = arith.extui %sign3A_529 : i1 to i32
      %sign3A_531 = arith.subi %sign3A_527, %sign3A_530 : i32
      %ne3A_532 = arith.cmpi ne, %sign3A_524, %sign3A_531 : i32
      %rem3A_533 = arith.remsi %add3A_515, %jit3A_516 : i32
      %ne3A_534 = arith.constant 0 : i32
      %ne3A_535 = arith.cmpi ne, %rem3A_533, %ne3A_534 : i32
      %and3A_536 = arith.andi %ne3A_532, %ne3A_535 : i1
      %sub3A_537 = arith.constant 1 : i32
      %sub3A_538 = arith.subi %div3A_517, %sub3A_537 : i32
      %select_n3A_539 = arith.select %and3A_536, %sub3A_538, %div3A_517 : i32
      %mul3A_540 = arith.constant 16 : i32
      %mul3A_541 = arith.muli %select_n3A_539, %mul3A_540 : i32
      %get3A_542 = arith.constant 8 : i32
      %get3A_543 = arith.index_cast %get3A_542 : i32 to index
      %get3A_544 = arith.index_cast %mul3A_541 : i32 to index
      %get3A_545 = tpu.vector_load %arg6[%get3A_543, %get3A_544] {strides = array<i32>} : memref<16x128xf32, #tpu.memory_space<vmem>>, vector<1x16xf32>,
      %get3A_546 = vector.shape_cast %get3A_545 : vector<1x16xf32> to vector<16xf32>
      %jit3A_547 = arith.constant 16 : i32
      %eq3A_548 = arith.constant 0 : i32
      %eq3A_549 = arith.cmpi eq, %jit3A_547, %eq3A_548 : i32
      %jit3A_550 = arith.constant 1 : i32
      %select_n3A_551 = arith.select %eq3A_549, %jit3A_550, %jit3A_547 : i32
      %rem3A_552 = arith.remsi %add3A_515, %select_n3A_551 : i32
      %ne3A_553 = arith.constant 0 : i32
      %ne3A_554 = arith.cmpi ne, %rem3A_552, %ne3A_553 : i32
      %lt3A_555 = arith.constant 0 : i32
      %lt3A_556 = arith.cmpi slt, %rem3A_552, %lt3A_555 : i32
      %lt3A_557 = arith.constant 0 : i32
      %lt3A_558 = arith.cmpi slt, %select_n3A_551, %lt3A_557 : i32
      %ne3A_559 = arith.xori %lt3A_556, %lt3A_558 : i1
      %and3A_560 = arith.andi %ne3A_559, %ne3A_554 : i1
      %add3A_561 = arith.addi %rem3A_552, %select_n3A_551 : i32
      %select_n3A_562 = arith.select %and3A_560, %add3A_561, %rem3A_552 : i32
      %broadcast_in_dim3A_563 = vector.broadcast %select_n3A_562 : i32 to vector<16xi32>
      %lt3A_564 = arith.constant 0 : i32
      %lt3A_565 = vector.broadcast %lt3A_564 : i32 to vector<16xi32>
      %lt3A_566 = arith.cmpi slt, %broadcast_in_dim3A_563, %lt3A_565 : vector<16xi32>
      %add3A_567 = arith.constant 16 : i32
      %add3A_568 = vector.broadcast %add3A_567 : i32 to vector<16xi32>
      %add3A_569 = arith.addi %broadcast_in_dim3A_563, %add3A_568 : vector<16xi32>
      %select_n3A_570 = arith.select %lt3A_566, %add3A_569, %broadcast_in_dim3A_563 : vector<16xi1>, vector<16xi32>
      %broadcast_in_dim3A_571 = vector.shape_cast %select_n3A_570 : vector<16xi32> to vector<16x1xi32>
      %gather3A_572 = vector.shape_cast %broadcast_in_dim3A_571 : vector<16x1xi32> to vector<16xi32>
      %gather3A_573 = tpu.dynamic_gather %get3A_546[%gather3A_572] in [0] : vector<16xf32>, vector<16xi32> -> vector<16xf32>
      %eq3A_574 = arith.constant 8 : i32
      %eq3A_575 = vector.broadcast %eq3A_574 : i32 to vector<16xi32>
      %eq3A_576 = arith.cmpi eq, %iota3A, %eq3A_575 : vector<16xi32>
      %select_n3A_577 = arith.select %eq3A_576, %gather3A_573, %select_n3A_513 : vector<16xi1>, vector<16xf32>
      %add3A_578 = arith.constant 9 : i32
      %add3A_579 = arith.addi %mul3A_4, %add3A_578 : i32
      %jit3A_580 = arith.constant 16 : i32
      %div3A_581 = arith.divsi %add3A_579, %jit3A_580 : i32
      %sign3A_582 = arith.constant 0 : i32
      %sign3A_583 = arith.cmpi sgt, %add3A_579, %sign3A_582 : i32
      %sign3A_584 = arith.extui %sign3A_583 : i1 to i32
      %sign3A_585 = arith.constant 0 : i32
      %sign3A_586 = arith.cmpi slt, %add3A_579, %sign3A_585 : i32
      %sign3A_587 = arith.extui %sign3A_586 : i1 to i32
      %sign3A_588 = arith.subi %sign3A_584, %sign3A_587 : i32
      %sign3A_589 = arith.constant 0 : i32
      %sign3A_590 = arith.cmpi sgt, %jit3A_580, %sign3A_589 : i32
      %sign3A_591 = arith.extui %sign3A_590 : i1 to i32
      %sign3A_592 = arith.constant 0 : i32
      %sign3A_593 = arith.cmpi slt, %jit3A_580, %sign3A_592 : i32
      %sign3A_594 = arith.extui %sign3A_593 : i1 to i32
      %sign3A_595 = arith.subi %sign3A_591, %sign3A_594 : i32
      %ne3A_596 = arith.cmpi ne, %sign3A_588, %sign3A_595 : i32
      %rem3A_597 = arith.remsi %add3A_579, %jit3A_580 : i32
      %ne3A_598 = arith.constant 0 : i32
      %ne3A_599 = arith.cmpi ne, %rem3A_597, %ne3A_598 : i32
      %and3A_600 = arith.andi %ne3A_596, %ne3A_599 : i1
      %sub3A_601 = arith.constant 1 : i32
      %sub3A_602 = arith.subi %div3A_581, %sub3A_601 : i32
      %select_n3A_603 = arith.select %and3A_600, %sub3A_602, %div3A_581 : i32
      %mul3A_604 = arith.constant 16 : i32
      %mul3A_605 = arith.muli %select_n3A_603, %mul3A_604 : i32
      %get3A_606 = arith.constant 9 : i32
      %get3A_607 = arith.index_cast %get3A_606 : i32 to index
      %get3A_608 = arith.index_cast %mul3A_605 : i32 to index
      %get3A_609 = tpu.vector_load %arg6[%get3A_607, %get3A_608] {strides = array<i32>} : memref<16x128xf32, #tpu.memory_space<vmem>>, vector<1x16xf32>,
      %get3A_610 = vector.shape_cast %get3A_609 : vector<1x16xf32> to vector<16xf32>
      %jit3A_611 = arith.constant 16 : i32
      %eq3A_612 = arith.constant 0 : i32
      %eq3A_613 = arith.cmpi eq, %jit3A_611, %eq3A_612 : i32
      %jit3A_614 = arith.constant 1 : i32
      %select_n3A_615 = arith.select %eq3A_613, %jit3A_614, %jit3A_611 : i32
      %rem3A_616 = arith.remsi %add3A_579, %select_n3A_615 : i32
      %ne3A_617 = arith.constant 0 : i32
      %ne3A_618 = arith.cmpi ne, %rem3A_616, %ne3A_617 : i32
      %lt3A_619 = arith.constant 0 : i32
      %lt3A_620 = arith.cmpi slt, %rem3A_616, %lt3A_619 : i32
      %lt3A_621 = arith.constant 0 : i32
      %lt3A_622 = arith.cmpi slt, %select_n3A_615, %lt3A_621 : i32
      %ne3A_623 = arith.xori %lt3A_620, %lt3A_622 : i1
      %and3A_624 = arith.andi %ne3A_623, %ne3A_618 : i1
      %add3A_625 = arith.addi %rem3A_616, %select_n3A_615 : i32
      %select_n3A_626 = arith.select %and3A_624, %add3A_625, %rem3A_616 : i32
      %broadcast_in_dim3A_627 = vector.broadcast %select_n3A_626 : i32 to vector<16xi32>
      %lt3A_628 = arith.constant 0 : i32
      %lt3A_629 = vector.broadcast %lt3A_628 : i32 to vector<16xi32>
      %lt3A_630 = arith.cmpi slt, %broadcast_in_dim3A_627, %lt3A_629 : vector<16xi32>
      %add3A_631 = arith.constant 16 : i32
      %add3A_632 = vector.broadcast %add3A_631 : i32 to vector<16xi32>
      %add3A_633 = arith.addi %broadcast_in_dim3A_627, %add3A_632 : vector<16xi32>
      %select_n3A_634 = arith.select %lt3A_630, %add3A_633, %broadcast_in_dim3A_627 : vector<16xi1>, vector<16xi32>
      %broadcast_in_dim3A_635 = vector.shape_cast %select_n3A_634 : vector<16xi32> to vector<16x1xi32>
      %gather3A_636 = vector.shape_cast %broadcast_in_dim3A_635 : vector<16x1xi32> to vector<16xi32>
      %gather3A_637 = tpu.dynamic_gather %get3A_610[%gather3A_636] in [0] : vector<16xf32>, vector<16xi32> -> vector<16xf32>
      %eq3A_638 = arith.constant 9 : i32
      %eq3A_639 = vector.broadcast %eq3A_638 : i32 to vector<16xi32>
      %eq3A_640 = arith.cmpi eq, %iota3A, %eq3A_639 : vector<16xi32>
      %select_n3A_641 = arith.select %eq3A_640, %gather3A_637, %select_n3A_577 : vector<16xi1>, vector<16xf32>
      %add3A_642 = arith.constant 10 : i32
      %add3A_643 = arith.addi %mul3A_4, %add3A_642 : i32
      %jit3A_644 = arith.constant 16 : i32
      %div3A_645 = arith.divsi %add3A_643, %jit3A_644 : i32
      %sign3A_646 = arith.constant 0 : i32
      %sign3A_647 = arith.cmpi sgt, %add3A_643, %sign3A_646 : i32
      %sign3A_648 = arith.extui %sign3A_647 : i1 to i32
      %sign3A_649 = arith.constant 0 : i32
      %sign3A_650 = arith.cmpi slt, %add3A_643, %sign3A_649 : i32
      %sign3A_651 = arith.extui %sign3A_650 : i1 to i32
      %sign3A_652 = arith.subi %sign3A_648, %sign3A_651 : i32
      %sign3A_653 = arith.constant 0 : i32
      %sign3A_654 = arith.cmpi sgt, %jit3A_644, %sign3A_653 : i32
      %sign3A_655 = arith.extui %sign3A_654 : i1 to i32
      %sign3A_656 = arith.constant 0 : i32
      %sign3A_657 = arith.cmpi slt, %jit3A_644, %sign3A_656 : i32
      %sign3A_658 = arith.extui %sign3A_657 : i1 to i32
      %sign3A_659 = arith.subi %sign3A_655, %sign3A_658 : i32
      %ne3A_660 = arith.cmpi ne, %sign3A_652, %sign3A_659 : i32
      %rem3A_661 = arith.remsi %add3A_643, %jit3A_644 : i32
      %ne3A_662 = arith.constant 0 : i32
      %ne3A_663 = arith.cmpi ne, %rem3A_661, %ne3A_662 : i32
      %and3A_664 = arith.andi %ne3A_660, %ne3A_663 : i1
      %sub3A_665 = arith.constant 1 : i32
      %sub3A_666 = arith.subi %div3A_645, %sub3A_665 : i32
      %select_n3A_667 = arith.select %and3A_664, %sub3A_666, %div3A_645 : i32
      %mul3A_668 = arith.constant 16 : i32
      %mul3A_669 = arith.muli %select_n3A_667, %mul3A_668 : i32
      %get3A_670 = arith.constant 10 : i32
      %get3A_671 = arith.index_cast %get3A_670 : i32 to index
      %get3A_672 = arith.index_cast %mul3A_669 : i32 to index
      %get3A_673 = tpu.vector_load %arg6[%get3A_671, %get3A_672] {strides = array<i32>} : memref<16x128xf32, #tpu.memory_space<vmem>>, vector<1x16xf32>,
      %get3A_674 = vector.shape_cast %get3A_673 : vector<1x16xf32> to vector<16xf32>
      %jit3A_675 = arith.constant 16 : i32
      %eq3A_676 = arith.constant 0 : i32
      %eq3A_677 = arith.cmpi eq, %jit3A_675, %eq3A_676 : i32
      %jit3A_678 = arith.constant 1 : i32
      %select_n3A_679 = arith.select %eq3A_677, %jit3A_678, %jit3A_675 : i32
      %rem3A_680 = arith.remsi %add3A_643, %select_n3A_679 : i32
      %ne3A_681 = arith.constant 0 : i32
      %ne3A_682 = arith.cmpi ne, %rem3A_680, %ne3A_681 : i32
      %lt3A_683 = arith.constant 0 : i32
      %lt3A_684 = arith.cmpi slt, %rem3A_680, %lt3A_683 : i32
      %lt3A_685 = arith.constant 0 : i32
      %lt3A_686 = arith.cmpi slt, %select_n3A_679, %lt3A_685 : i32
      %ne3A_687 = arith.xori %lt3A_684, %lt3A_686 : i1
      %and3A_688 = arith.andi %ne3A_687, %ne3A_682 : i1
      %add3A_689 = arith.addi %rem3A_680, %select_n3A_679 : i32
      %select_n3A_690 = arith.select %and3A_688, %add3A_689, %rem3A_680 : i32
      %broadcast_in_dim3A_691 = vector.broadcast %select_n3A_690 : i32 to vector<16xi32>
      %lt3A_692 = arith.constant 0 : i32
      %lt3A_693 = vector.broadcast %lt3A_692 : i32 to vector<16xi32>
      %lt3A_694 = arith.cmpi slt, %broadcast_in_dim3A_691, %lt3A_693 : vector<16xi32>
      %add3A_695 = arith.constant 16 : i32
      %add3A_696 = vector.broadcast %add3A_695 : i32 to vector<16xi32>
      %add3A_697 = arith.addi %broadcast_in_dim3A_691, %add3A_696 : vector<16xi32>
      %select_n3A_698 = arith.select %lt3A_694, %add3A_697, %broadcast_in_dim3A_691 : vector<16xi1>, vector<16xi32>
      %broadcast_in_dim3A_699 = vector.shape_cast %select_n3A_698 : vector<16xi32> to vector<16x1xi32>
      %gather3A_700 = vector.shape_cast %broadcast_in_dim3A_699 : vector<16x1xi32> to vector<16xi32>
      %gather3A_701 = tpu.dynamic_gather %get3A_674[%gather3A_700] in [0] : vector<16xf32>, vector<16xi32> -> vector<16xf32>
      %eq3A_702 = arith.constant 10 : i32
      %eq3A_703 = vector.broadcast %eq3A_702 : i32 to vector<16xi32>
      %eq3A_704 = arith.cmpi eq, %iota3A, %eq3A_703 : vector<16xi32>
      %select_n3A_705 = arith.select %eq3A_704, %gather3A_701, %select_n3A_641 : vector<16xi1>, vector<16xf32>
      %add3A_706 = arith.constant 11 : i32
      %add3A_707 = arith.addi %mul3A_4, %add3A_706 : i32
      %jit3A_708 = arith.constant 16 : i32
      %div3A_709 = arith.divsi %add3A_707, %jit3A_708 : i32
      %sign3A_710 = arith.constant 0 : i32
      %sign3A_711 = arith.cmpi sgt, %add3A_707, %sign3A_710 : i32
      %sign3A_712 = arith.extui %sign3A_711 : i1 to i32
      %sign3A_713 = arith.constant 0 : i32
      %sign3A_714 = arith.cmpi slt, %add3A_707, %sign3A_713 : i32
      %sign3A_715 = arith.extui %sign3A_714 : i1 to i32
      %sign3A_716 = arith.subi %sign3A_712, %sign3A_715 : i32
      %sign3A_717 = arith.constant 0 : i32
      %sign3A_718 = arith.cmpi sgt, %jit3A_708, %sign3A_717 : i32
      %sign3A_719 = arith.extui %sign3A_718 : i1 to i32
      %sign3A_720 = arith.constant 0 : i32
      %sign3A_721 = arith.cmpi slt, %jit3A_708, %sign3A_720 : i32
      %sign3A_722 = arith.extui %sign3A_721 : i1 to i32
      %sign3A_723 = arith.subi %sign3A_719, %sign3A_722 : i32
      %ne3A_724 = arith.cmpi ne, %sign3A_716, %sign3A_723 : i32
      %rem3A_725 = arith.remsi %add3A_707, %jit3A_708 : i32
      %ne3A_726 = arith.constant 0 : i32
      %ne3A_727 = arith.cmpi ne, %rem3A_725, %ne3A_726 : i32
      %and3A_728 = arith.andi %ne3A_724, %ne3A_727 : i1
      %sub3A_729 = arith.constant 1 : i32
      %sub3A_730 = arith.subi %div3A_709, %sub3A_729 : i32
      %select_n3A_731 = arith.select %and3A_728, %sub3A_730, %div3A_709 : i32
      %mul3A_732 = arith.constant 16 : i32
      %mul3A_733 = arith.muli %select_n3A_731, %mul3A_732 : i32
      %get3A_734 = arith.constant 11 : i32
      %get3A_735 = arith.index_cast %get3A_734 : i32 to index
      %get3A_736 = arith.index_cast %mul3A_733 : i32 to index
      %get3A_737 = tpu.vector_load %arg6[%get3A_735, %get3A_736] {strides = array<i32>} : memref<16x128xf32, #tpu.memory_space<vmem>>, vector<1x16xf32>,
      %get3A_738 = vector.shape_cast %get3A_737 : vector<1x16xf32> to vector<16xf32>
      %jit3A_739 = arith.constant 16 : i32
      %eq3A_740 = arith.constant 0 : i32
      %eq3A_741 = arith.cmpi eq, %jit3A_739, %eq3A_740 : i32
      %jit3A_742 = arith.constant 1 : i32
      %select_n3A_743 = arith.select %eq3A_741, %jit3A_742, %jit3A_739 : i32
      %rem3A_744 = arith.remsi %add3A_707, %select_n3A_743 : i32
      %ne3A_745 = arith.constant 0 : i32
      %ne3A_746 = arith.cmpi ne, %rem3A_744, %ne3A_745 : i32
      %lt3A_747 = arith.constant 0 : i32
      %lt3A_748 = arith.cmpi slt, %rem3A_744, %lt3A_747 : i32
      %lt3A_749 = arith.constant 0 : i32
      %lt3A_750 = arith.cmpi slt, %select_n3A_743, %lt3A_749 : i32
      %ne3A_751 = arith.xori %lt3A_748, %lt3A_750 : i1
      %and3A_752 = arith.andi %ne3A_751, %ne3A_746 : i1
      %add3A_753 = arith.addi %rem3A_744, %select_n3A_743 : i32
      %select_n3A_754 = arith.select %and3A_752, %add3A_753, %rem3A_744 : i32
      %broadcast_in_dim3A_755 = vector.broadcast %select_n3A_754 : i32 to vector<16xi32>
      %lt3A_756 = arith.constant 0 : i32
      %lt3A_757 = vector.broadcast %lt3A_756 : i32 to vector<16xi32>
      %lt3A_758 = arith.cmpi slt, %broadcast_in_dim3A_755, %lt3A_757 : vector<16xi32>
      %add3A_759 = arith.constant 16 : i32
      %add3A_760 = vector.broadcast %add3A_759 : i32 to vector<16xi32>
      %add3A_761 = arith.addi %broadcast_in_dim3A_755, %add3A_760 : vector<16xi32>
      %select_n3A_762 = arith.select %lt3A_758, %add3A_761, %broadcast_in_dim3A_755 : vector<16xi1>, vector<16xi32>
      %broadcast_in_dim3A_763 = vector.shape_cast %select_n3A_762 : vector<16xi32> to vector<16x1xi32>
      %gather3A_764 = vector.shape_cast %broadcast_in_dim3A_763 : vector<16x1xi32> to vector<16xi32>
      %gather3A_765 = tpu.dynamic_gather %get3A_738[%gather3A_764] in [0] : vector<16xf32>, vector<16xi32> -> vector<16xf32>
      %eq3A_766 = arith.constant 11 : i32
      %eq3A_767 = vector.broadcast %eq3A_766 : i32 to vector<16xi32>
      %eq3A_768 = arith.cmpi eq, %iota3A, %eq3A_767 : vector<16xi32>
      %select_n3A_769 = arith.select %eq3A_768, %gather3A_765, %select_n3A_705 : vector<16xi1>, vector<16xf32>
      %add3A_770 = arith.constant 12 : i32
      %add3A_771 = arith.addi %mul3A_4, %add3A_770 : i32
      %jit3A_772 = arith.constant 16 : i32
      %div3A_773 = arith.divsi %add3A_771, %jit3A_772 : i32
      %sign3A_774 = arith.constant 0 : i32
      %sign3A_775 = arith.cmpi sgt, %add3A_771, %sign3A_774 : i32
      %sign3A_776 = arith.extui %sign3A_775 : i1 to i32
      %sign3A_777 = arith.constant 0 : i32
      %sign3A_778 = arith.cmpi slt, %add3A_771, %sign3A_777 : i32
      %sign3A_779 = arith.extui %sign3A_778 : i1 to i32
      %sign3A_780 = arith.subi %sign3A_776, %sign3A_779 : i32
      %sign3A_781 = arith.constant 0 : i32
      %sign3A_782 = arith.cmpi sgt, %jit3A_772, %sign3A_781 : i32
      %sign3A_783 = arith.extui %sign3A_782 : i1 to i32
      %sign3A_784 = arith.constant 0 : i32
      %sign3A_785 = arith.cmpi slt, %jit3A_772, %sign3A_784 : i32
      %sign3A_786 = arith.extui %sign3A_785 : i1 to i32
      %sign3A_787 = arith.subi %sign3A_783, %sign3A_786 : i32
      %ne3A_788 = arith.cmpi ne, %sign3A_780, %sign3A_787 : i32
      %rem3A_789 = arith.remsi %add3A_771, %jit3A_772 : i32
      %ne3A_790 = arith.constant 0 : i32
      %ne3A_791 = arith.cmpi ne, %rem3A_789, %ne3A_790 : i32
      %and3A_792 = arith.andi %ne3A_788, %ne3A_791 : i1
      %sub3A_793 = arith.constant 1 : i32
      %sub3A_794 = arith.subi %div3A_773, %sub3A_793 : i32
      %select_n3A_795 = arith.select %and3A_792, %sub3A_794, %div3A_773 : i32
      %mul3A_796 = arith.constant 16 : i32
      %mul3A_797 = arith.muli %select_n3A_795, %mul3A_796 : i32
      %get3A_798 = arith.constant 12 : i32
      %get3A_799 = arith.index_cast %get3A_798 : i32 to index
      %get3A_800 = arith.index_cast %mul3A_797 : i32 to index
      %get3A_801 = tpu.vector_load %arg6[%get3A_799, %get3A_800] {strides = array<i32>} : memref<16x128xf32, #tpu.memory_space<vmem>>, vector<1x16xf32>,
      %get3A_802 = vector.shape_cast %get3A_801 : vector<1x16xf32> to vector<16xf32>
      %jit3A_803 = arith.constant 16 : i32
      %eq3A_804 = arith.constant 0 : i32
      %eq3A_805 = arith.cmpi eq, %jit3A_803, %eq3A_804 : i32
      %jit3A_806 = arith.constant 1 : i32
      %select_n3A_807 = arith.select %eq3A_805, %jit3A_806, %jit3A_803 : i32
      %rem3A_808 = arith.remsi %add3A_771, %select_n3A_807 : i32
      %ne3A_809 = arith.constant 0 : i32
      %ne3A_810 = arith.cmpi ne, %rem3A_808, %ne3A_809 : i32
      %lt3A_811 = arith.constant 0 : i32
      %lt3A_812 = arith.cmpi slt, %rem3A_808, %lt3A_811 : i32
      %lt3A_813 = arith.constant 0 : i32
      %lt3A_814 = arith.cmpi slt, %select_n3A_807, %lt3A_813 : i32
      %ne3A_815 = arith.xori %lt3A_812, %lt3A_814 : i1
      %and3A_816 = arith.andi %ne3A_815, %ne3A_810 : i1
      %add3A_817 = arith.addi %rem3A_808, %select_n3A_807 : i32
      %select_n3A_818 = arith.select %and3A_816, %add3A_817, %rem3A_808 : i32
      %broadcast_in_dim3A_819 = vector.broadcast %select_n3A_818 : i32 to vector<16xi32>
      %lt3A_820 = arith.constant 0 : i32
      %lt3A_821 = vector.broadcast %lt3A_820 : i32 to vector<16xi32>
      %lt3A_822 = arith.cmpi slt, %broadcast_in_dim3A_819, %lt3A_821 : vector<16xi32>
      %add3A_823 = arith.constant 16 : i32
      %add3A_824 = vector.broadcast %add3A_823 : i32 to vector<16xi32>
      %add3A_825 = arith.addi %broadcast_in_dim3A_819, %add3A_824 : vector<16xi32>
      %select_n3A_826 = arith.select %lt3A_822, %add3A_825, %broadcast_in_dim3A_819 : vector<16xi1>, vector<16xi32>
      %broadcast_in_dim3A_827 = vector.shape_cast %select_n3A_826 : vector<16xi32> to vector<16x1xi32>
      %gather3A_828 = vector.shape_cast %broadcast_in_dim3A_827 : vector<16x1xi32> to vector<16xi32>
      %gather3A_829 = tpu.dynamic_gather %get3A_802[%gather3A_828] in [0] : vector<16xf32>, vector<16xi32> -> vector<16xf32>
      %eq3A_830 = arith.constant 12 : i32
      %eq3A_831 = vector.broadcast %eq3A_830 : i32 to vector<16xi32>
      %eq3A_832 = arith.cmpi eq, %iota3A, %eq3A_831 : vector<16xi32>
      %select_n3A_833 = arith.select %eq3A_832, %gather3A_829, %select_n3A_769 : vector<16xi1>, vector<16xf32>
      %add3A_834 = arith.constant 13 : i32
      %add3A_835 = arith.addi %mul3A_4, %add3A_834 : i32
      %jit3A_836 = arith.constant 16 : i32
      %div3A_837 = arith.divsi %add3A_835, %jit3A_836 : i32
      %sign3A_838 = arith.constant 0 : i32
      %sign3A_839 = arith.cmpi sgt, %add3A_835, %sign3A_838 : i32
      %sign3A_840 = arith.extui %sign3A_839 : i1 to i32
      %sign3A_841 = arith.constant 0 : i32
      %sign3A_842 = arith.cmpi slt, %add3A_835, %sign3A_841 : i32
      %sign3A_843 = arith.extui %sign3A_842 : i1 to i32
      %sign3A_844 = arith.subi %sign3A_840, %sign3A_843 : i32
      %sign3A_845 = arith.constant 0 : i32
      %sign3A_846 = arith.cmpi sgt, %jit3A_836, %sign3A_845 : i32
      %sign3A_847 = arith.extui %sign3A_846 : i1 to i32
      %sign3A_848 = arith.constant 0 : i32
      %sign3A_849 = arith.cmpi slt, %jit3A_836, %sign3A_848 : i32
      %sign3A_850 = arith.extui %sign3A_849 : i1 to i32
      %sign3A_851 = arith.subi %sign3A_847, %sign3A_850 : i32
      %ne3A_852 = arith.cmpi ne, %sign3A_844, %sign3A_851 : i32
      %rem3A_853 = arith.remsi %add3A_835, %jit3A_836 : i32
      %ne3A_854 = arith.constant 0 : i32
      %ne3A_855 = arith.cmpi ne, %rem3A_853, %ne3A_854 : i32
      %and3A_856 = arith.andi %ne3A_852, %ne3A_855 : i1
      %sub3A_857 = arith.constant 1 : i32
      %sub3A_858 = arith.subi %div3A_837, %sub3A_857 : i32
      %select_n3A_859 = arith.select %and3A_856, %sub3A_858, %div3A_837 : i32
      %mul3A_860 = arith.constant 16 : i32
      %mul3A_861 = arith.muli %select_n3A_859, %mul3A_860 : i32
      %get3A_862 = arith.constant 13 : i32
      %get3A_863 = arith.index_cast %get3A_862 : i32 to index
      %get3A_864 = arith.index_cast %mul3A_861 : i32 to index
      %get3A_865 = tpu.vector_load %arg6[%get3A_863, %get3A_864] {strides = array<i32>} : memref<16x128xf32, #tpu.memory_space<vmem>>, vector<1x16xf32>,
      %get3A_866 = vector.shape_cast %get3A_865 : vector<1x16xf32> to vector<16xf32>
      %jit3A_867 = arith.constant 16 : i32
      %eq3A_868 = arith.constant 0 : i32
      %eq3A_869 = arith.cmpi eq, %jit3A_867, %eq3A_868 : i32
      %jit3A_870 = arith.constant 1 : i32
      %select_n3A_871 = arith.select %eq3A_869, %jit3A_870, %jit3A_867 : i32
      %rem3A_872 = arith.remsi %add3A_835, %select_n3A_871 : i32
      %ne3A_873 = arith.constant 0 : i32
      %ne3A_874 = arith.cmpi ne, %rem3A_872, %ne3A_873 : i32
      %lt3A_875 = arith.constant 0 : i32
      %lt3A_876 = arith.cmpi slt, %rem3A_872, %lt3A_875 : i32
      %lt3A_877 = arith.constant 0 : i32
      %lt3A_878 = arith.cmpi slt, %select_n3A_871, %lt3A_877 : i32
      %ne3A_879 = arith.xori %lt3A_876, %lt3A_878 : i1
      %and3A_880 = arith.andi %ne3A_879, %ne3A_874 : i1
      %add3A_881 = arith.addi %rem3A_872, %select_n3A_871 : i32
      %select_n3A_882 = arith.select %and3A_880, %add3A_881, %rem3A_872 : i32
      %broadcast_in_dim3A_883 = vector.broadcast %select_n3A_882 : i32 to vector<16xi32>
      %lt3A_884 = arith.constant 0 : i32
      %lt3A_885 = vector.broadcast %lt3A_884 : i32 to vector<16xi32>
      %lt3A_886 = arith.cmpi slt, %broadcast_in_dim3A_883, %lt3A_885 : vector<16xi32>
      %add3A_887 = arith.constant 16 : i32
      %add3A_888 = vector.broadcast %add3A_887 : i32 to vector<16xi32>
      %add3A_889 = arith.addi %broadcast_in_dim3A_883, %add3A_888 : vector<16xi32>
      %select_n3A_890 = arith.select %lt3A_886, %add3A_889, %broadcast_in_dim3A_883 : vector<16xi1>, vector<16xi32>
      %broadcast_in_dim3A_891 = vector.shape_cast %select_n3A_890 : vector<16xi32> to vector<16x1xi32>
      %gather3A_892 = vector.shape_cast %broadcast_in_dim3A_891 : vector<16x1xi32> to vector<16xi32>
      %gather3A_893 = tpu.dynamic_gather %get3A_866[%gather3A_892] in [0] : vector<16xf32>, vector<16xi32> -> vector<16xf32>
      %eq3A_894 = arith.constant 13 : i32
      %eq3A_895 = vector.broadcast %eq3A_894 : i32 to vector<16xi32>
      %eq3A_896 = arith.cmpi eq, %iota3A, %eq3A_895 : vector<16xi32>
      %select_n3A_897 = arith.select %eq3A_896, %gather3A_893, %select_n3A_833 : vector<16xi1>, vector<16xf32>
      %add3A_898 = arith.constant 14 : i32
      %add3A_899 = arith.addi %mul3A_4, %add3A_898 : i32
      %jit3A_900 = arith.constant 16 : i32
      %div3A_901 = arith.divsi %add3A_899, %jit3A_900 : i32
      %sign3A_902 = arith.constant 0 : i32
      %sign3A_903 = arith.cmpi sgt, %add3A_899, %sign3A_902 : i32
      %sign3A_904 = arith.extui %sign3A_903 : i1 to i32
      %sign3A_905 = arith.constant 0 : i32
      %sign3A_906 = arith.cmpi slt, %add3A_899, %sign3A_905 : i32
      %sign3A_907 = arith.extui %sign3A_906 : i1 to i32
      %sign3A_908 = arith.subi %sign3A_904, %sign3A_907 : i32
      %sign3A_909 = arith.constant 0 : i32
      %sign3A_910 = arith.cmpi sgt, %jit3A_900, %sign3A_909 : i32
      %sign3A_911 = arith.extui %sign3A_910 : i1 to i32
      %sign3A_912 = arith.constant 0 : i32
      %sign3A_913 = arith.cmpi slt, %jit3A_900, %sign3A_912 : i32
      %sign3A_914 = arith.extui %sign3A_913 : i1 to i32
      %sign3A_915 = arith.subi %sign3A_911, %sign3A_914 : i32
      %ne3A_916 = arith.cmpi ne, %sign3A_908, %sign3A_915 : i32
      %rem3A_917 = arith.remsi %add3A_899, %jit3A_900 : i32
      %ne3A_918 = arith.constant 0 : i32
      %ne3A_919 = arith.cmpi ne, %rem3A_917, %ne3A_918 : i32
      %and3A_920 = arith.andi %ne3A_916, %ne3A_919 : i1
      %sub3A_921 = arith.constant 1 : i32
      %sub3A_922 = arith.subi %div3A_901, %sub3A_921 : i32
      %select_n3A_923 = arith.select %and3A_920, %sub3A_922, %div3A_901 : i32
      %mul3A_924 = arith.constant 16 : i32
      %mul3A_925 = arith.muli %select_n3A_923, %mul3A_924 : i32
      %get3A_926 = arith.constant 14 : i32
      %get3A_927 = arith.index_cast %get3A_926 : i32 to index
      %get3A_928 = arith.index_cast %mul3A_925 : i32 to index
      %get3A_929 = tpu.vector_load %arg6[%get3A_927, %get3A_928] {strides = array<i32>} : memref<16x128xf32, #tpu.memory_space<vmem>>, vector<1x16xf32>,
      %get3A_930 = vector.shape_cast %get3A_929 : vector<1x16xf32> to vector<16xf32>
      %jit3A_931 = arith.constant 16 : i32
      %eq3A_932 = arith.constant 0 : i32
      %eq3A_933 = arith.cmpi eq, %jit3A_931, %eq3A_932 : i32
      %jit3A_934 = arith.constant 1 : i32
      %select_n3A_935 = arith.select %eq3A_933, %jit3A_934, %jit3A_931 : i32
      %rem3A_936 = arith.remsi %add3A_899, %select_n3A_935 : i32
      %ne3A_937 = arith.constant 0 : i32
      %ne3A_938 = arith.cmpi ne, %rem3A_936, %ne3A_937 : i32
      %lt3A_939 = arith.constant 0 : i32
      %lt3A_940 = arith.cmpi slt, %rem3A_936, %lt3A_939 : i32
      %lt3A_941 = arith.constant 0 : i32
      %lt3A_942 = arith.cmpi slt, %select_n3A_935, %lt3A_941 : i32
      %ne3A_943 = arith.xori %lt3A_940, %lt3A_942 : i1
      %and3A_944 = arith.andi %ne3A_943, %ne3A_938 : i1
      %add3A_945 = arith.addi %rem3A_936, %select_n3A_935 : i32
      %select_n3A_946 = arith.select %and3A_944, %add3A_945, %rem3A_936 : i32
      %broadcast_in_dim3A_947 = vector.broadcast %select_n3A_946 : i32 to vector<16xi32>
      %lt3A_948 = arith.constant 0 : i32
      %lt3A_949 = vector.broadcast %lt3A_948 : i32 to vector<16xi32>
      %lt3A_950 = arith.cmpi slt, %broadcast_in_dim3A_947, %lt3A_949 : vector<16xi32>
      %add3A_951 = arith.constant 16 : i32
      %add3A_952 = vector.broadcast %add3A_951 : i32 to vector<16xi32>
      %add3A_953 = arith.addi %broadcast_in_dim3A_947, %add3A_952 : vector<16xi32>
      %select_n3A_954 = arith.select %lt3A_950, %add3A_953, %broadcast_in_dim3A_947 : vector<16xi1>, vector<16xi32>
      %broadcast_in_dim3A_955 = vector.shape_cast %select_n3A_954 : vector<16xi32> to vector<16x1xi32>
      %gather3A_956 = vector.shape_cast %broadcast_in_dim3A_955 : vector<16x1xi32> to vector<16xi32>
      %gather3A_957 = tpu.dynamic_gather %get3A_930[%gather3A_956] in [0] : vector<16xf32>, vector<16xi32> -> vector<16xf32>
      %eq3A_958 = arith.constant 14 : i32
      %eq3A_959 = vector.broadcast %eq3A_958 : i32 to vector<16xi32>
      %eq3A_960 = arith.cmpi eq, %iota3A, %eq3A_959 : vector<16xi32>
      %select_n3A_961 = arith.select %eq3A_960, %gather3A_957, %select_n3A_897 : vector<16xi1>, vector<16xf32>
      %add3A_962 = arith.constant 15 : i32
      %add3A_963 = arith.addi %mul3A_4, %add3A_962 : i32
      %jit3A_964 = arith.constant 16 : i32
      %div3A_965 = arith.divsi %add3A_963, %jit3A_964 : i32
      %sign3A_966 = arith.constant 0 : i32
      %sign3A_967 = arith.cmpi sgt, %add3A_963, %sign3A_966 : i32
      %sign3A_968 = arith.extui %sign3A_967 : i1 to i32
      %sign3A_969 = arith.constant 0 : i32
      %sign3A_970 = arith.cmpi slt, %add3A_963, %sign3A_969 : i32
      %sign3A_971 = arith.extui %sign3A_970 : i1 to i32
      %sign3A_972 = arith.subi %sign3A_968, %sign3A_971 : i32
      %sign3A_973 = arith.constant 0 : i32
      %sign3A_974 = arith.cmpi sgt, %jit3A_964, %sign3A_973 : i32
      %sign3A_975 = arith.extui %sign3A_974 : i1 to i32
      %sign3A_976 = arith.constant 0 : i32
      %sign3A_977 = arith.cmpi slt, %jit3A_964, %sign3A_976 : i32
      %sign3A_978 = arith.extui %sign3A_977 : i1 to i32
      %sign3A_979 = arith.subi %sign3A_975, %sign3A_978 : i32
      %ne3A_980 = arith.cmpi ne, %sign3A_972, %sign3A_979 : i32
      %rem3A_981 = arith.remsi %add3A_963, %jit3A_964 : i32
      %ne3A_982 = arith.constant 0 : i32
      %ne3A_983 = arith.cmpi ne, %rem3A_981, %ne3A_982 : i32
      %and3A_984 = arith.andi %ne3A_980, %ne3A_983 : i1
      %sub3A_985 = arith.constant 1 : i32
      %sub3A_986 = arith.subi %div3A_965, %sub3A_985 : i32
      %select_n3A_987 = arith.select %and3A_984, %sub3A_986, %div3A_965 : i32
      %mul3A_988 = arith.constant 16 : i32
      %mul3A_989 = arith.muli %select_n3A_987, %mul3A_988 : i32
      %get3A_990 = arith.constant 15 : i32
      %get3A_991 = arith.index_cast %get3A_990 : i32 to index
      %get3A_992 = arith.index_cast %mul3A_989 : i32 to index
      %get3A_993 = tpu.vector_load %arg6[%get3A_991, %get3A_992] {strides = array<i32>} : memref<16x128xf32, #tpu.memory_space<vmem>>, vector<1x16xf32>,
      %get3A_994 = vector.shape_cast %get3A_993 : vector<1x16xf32> to vector<16xf32>
      %jit3A_995 = arith.constant 16 : i32
      %eq3A_996 = arith.constant 0 : i32
      %eq3A_997 = arith.cmpi eq, %jit3A_995, %eq3A_996 : i32
      %jit3A_998 = arith.constant 1 : i32
      %select_n3A_999 = arith.select %eq3A_997, %jit3A_998, %jit3A_995 : i32
      %rem3A_1000 = arith.remsi %add3A_963, %select_n3A_999 : i32
      %ne3A_1001 = arith.constant 0 : i32
      %ne3A_1002 = arith.cmpi ne, %rem3A_1000, %ne3A_1001 : i32
      %lt3A_1003 = arith.constant 0 : i32
      %lt3A_1004 = arith.cmpi slt, %rem3A_1000, %lt3A_1003 : i32
      %lt3A_1005 = arith.constant 0 : i32
      %lt3A_1006 = arith.cmpi slt, %select_n3A_999, %lt3A_1005 : i32
      %ne3A_1007 = arith.xori %lt3A_1004, %lt3A_1006 : i1
      %and3A_1008 = arith.andi %ne3A_1007, %ne3A_1002 : i1
      %add3A_1009 = arith.addi %rem3A_1000, %select_n3A_999 : i32
      %select_n3A_1010 = arith.select %and3A_1008, %add3A_1009, %rem3A_1000 : i32
      %broadcast_in_dim3A_1011 = vector.broadcast %select_n3A_1010 : i32 to vector<16xi32>
      %lt3A_1012 = arith.constant 0 : i32
      %lt3A_1013 = vector.broadcast %lt3A_1012 : i32 to vector<16xi32>
      %lt3A_1014 = arith.cmpi slt, %broadcast_in_dim3A_1011, %lt3A_1013 : vector<16xi32>
      %add3A_1015 = arith.constant 16 : i32
      %add3A_1016 = vector.broadcast %add3A_1015 : i32 to vector<16xi32>
      %add3A_1017 = arith.addi %broadcast_in_dim3A_1011, %add3A_1016 : vector<16xi32>
      %select_n3A_1018 = arith.select %lt3A_1014, %add3A_1017, %broadcast_in_dim3A_1011 : vector<16xi1>, vector<16xi32>
      %broadcast_in_dim3A_1019 = vector.shape_cast %select_n3A_1018 : vector<16xi32> to vector<16x1xi32>
      %gather3A_1020 = vector.shape_cast %broadcast_in_dim3A_1019 : vector<16x1xi32> to vector<16xi32>
      %gather3A_1021 = tpu.dynamic_gather %get3A_994[%gather3A_1020] in [0] : vector<16xf32>, vector<16xi32> -> vector<16xf32>
      %eq3A_1022 = arith.constant 15 : i32
      %eq3A_1023 = vector.broadcast %eq3A_1022 : i32 to vector<16xi32>
      %eq3A_1024 = arith.cmpi eq, %iota3A, %eq3A_1023 : vector<16xi32>
      %select_n3A_1025 = arith.select %eq3A_1024, %gather3A_1021, %select_n3A_961 : vector<16xi1>, vector<16xf32>
      %swap3A = arith.constant 0 : index
      %swap3A_1026 = tpu.vector_load %arg7[%swap3A] {strides = array<i32>} : memref<16xf32, #tpu.memory_space<vmem>>, vector<16xf32>,
      %swap3A_1027 = vector.shape_cast %swap3A_1026 : vector<16xf32> to vector<16xf32>
      %swap3A_1028 = vector.shape_cast %select_n3A_1025 : vector<16xf32> to vector<16xf32>
      tpu.vector_store %arg7[%swap3A], %swap3A_1028 {strides = array<i32>} : memref<16xf32, #tpu.memory_space<vmem>>, vector<16xf32>,
      "tpu.region"() ({
        %run_scoped3A = tpu.sem_alloc : memref<!tpu.dma_semaphore, #tpu.memory_space<semaphore_mem>>
        %dma_start3A_1029 = tpu.memref_slice %arg4[%mul3A_4] : memref<128xf32, #tpu.memory_space<hbm>> -> memref<16xf32, #tpu.memory_space<hbm>>
        %dma_start3A_1030 = tpu.memref_slice %arg4[%mul3A_4] : memref<128xf32, #tpu.memory_space<hbm>> -> memref<16xf32, #tpu.memory_space<hbm>>
        tpu.enqueue_dma source(%arg7 : memref<16xf32, #tpu.memory_space<vmem>>) target(%dma_start3A_1030 : memref<16xf32, #tpu.memory_space<hbm>>) target_semaphore(%run_scoped3A : memref<!tpu.dma_semaphore, #tpu.memory_space<semaphore_mem>>)
        %dma_wait3A_1031 = tpu.memref_slice %arg4[%mul3A_4] : memref<128xf32, #tpu.memory_space<hbm>> -> memref<16xf32, #tpu.memory_space<hbm>>
        %dma_wait3A_1032 = tpu.memref_slice %arg4[%mul3A_4] : memref<128xf32, #tpu.memory_space<hbm>> -> memref<16xf32, #tpu.memory_space<hbm>>
        tpu.wait_dma2 semaphore(%run_scoped3A : memref<!tpu.dma_semaphore, #tpu.memory_space<semaphore_mem>>) src(%arg7 : memref<16xf32, #tpu.memory_space<vmem>>) dst(%dma_wait3A_1032 : memref<16xf32, #tpu.memory_space<hbm>>)
        tpu.yield
      }) : () -> ()
    } else {
    }
    return
  }
}

module attributes {stable_mosaic.version = 14 : i64} {
  func.func @_count_body(%arg0: i32, %arg1: memref<10000x128xf32, #tpu.memory_space<vmem>>, %arg2: memref<1x128xf32, #tpu.memory_space<vmem>>, %arg3: memref<1x128xi32, #tpu.memory_space<vmem>>, %arg4: memref<1xf32, #tpu.memory_space<smem>>, %arg5: memref<1xf32, #tpu.memory_space<smem>>, %arg6: memref<1x128xi32, #tpu.memory_space<vmem>>) attributes {dimension_semantics = [#tpu.dimension_semantics<arbitrary>], iteration_bounds = array<i64: 10>, scalar_prefetch = 0 : i64, scratch_operands = 1 : i64, tpu.core_type = #tpu.core_type<tc>, window_params = [{transform_indices = @transform_0, window_bounds = array<i64: 10000, 128>}, {pipeline_mode = #tpu.pipeline_mode<synchronous>, transform_indices = @transform_1, window_bounds = array<i64: 1, 128>}, {pipeline_mode = #tpu.pipeline_mode<synchronous>, transform_indices = @transform_2, window_bounds = array<i64: 1, 128>}, {transform_indices = @transform_3, window_bounds = array<i64: 1>}, {transform_indices = @transform_4, window_bounds = array<i64: 1>}]} {
    %eq3A = arith.constant 0 : i32
    %eq3A_0 = arith.cmpi eq, %arg0, %eq3A : i32
    %convert_element_type3A = arith.extui %eq3A_0 : i1 to i32
    %cond3A = arith.constant 0 : i32
    %cond3A_1 = arith.cmpi ne, %convert_element_type3A, %cond3A : i32
    scf.if %cond3A_1 {
      %broadcast_in_dim3A_29 = arith.constant 0 : i32
      %broadcast_in_dim3A_30 = vector.broadcast %broadcast_in_dim3A_29 : i32 to vector<1x128xi32>
      %swap3A_31 = arith.constant 0 : index
      %swap3A_32 = arith.constant 0 : index
      %swap3A_33 = vector.load %arg6[%swap3A_31, %swap3A_32] : memref<1x128xi32, #tpu.memory_space<vmem>>, vector<1x128xi32>
      tpu.vector_store %arg6[%swap3A_31, %swap3A_32], %broadcast_in_dim3A_30 {strides = array<i32>} : memref<1x128xi32, #tpu.memory_space<vmem>>, vector<1x128xi32>,
    } else {
    }
    %get3A = arith.constant 0 : index
    %get3A_2 = arith.constant 0 : index
    %get3A_3 = vector.load %arg1[%get3A, %get3A_2] : memref<10000x128xf32, #tpu.memory_space<vmem>>, vector<10000x128xf32>
    %get3A_4 = arith.constant 0 : index
    %get3A_5 = arith.constant 0 : index
    %get3A_6 = vector.load %arg2[%get3A_4, %get3A_5] : memref<1x128xf32, #tpu.memory_space<vmem>>, vector<1x128xf32>
    %get3A_7 = arith.constant 0 : index
    %get3A_8 = arith.constant 0 : index
    %get3A_9 = vector.load %arg3[%get3A_7, %get3A_8] : memref<1x128xi32, #tpu.memory_space<vmem>>, vector<1x128xi32>
    %mul3A = arith.constant 10000 : i32
    %mul3A_10 = arith.muli %arg0, %mul3A : i32
    %iota3A = tpu.iota {dimensions = array<i32: 0>} : vector<10000x128xi32>
    %add3A = vector.broadcast %mul3A_10 : i32 to vector<10000x128xi32>
    %add3A_11 = arith.addi %add3A, %iota3A : vector<10000x128xi32>
    %gt3A = vector.broadcast %get3A_6 : vector<1x128xf32> to vector<10000x128xf32>
    %gt3A_12 = arith.cmpf ogt, %get3A_3, %gt3A : vector<10000x128xf32>
    %eq3A_13 = vector.broadcast %get3A_6 : vector<1x128xf32> to vector<10000x128xf32>
    %eq3A_14 = arith.cmpf oeq, %get3A_3, %eq3A_13 : vector<10000x128xf32>
    %lt3A = vector.broadcast %get3A_9 : vector<1x128xi32> to vector<10000x128xi32>
    %lt3A_15 = arith.cmpi slt, %add3A_11, %lt3A : vector<10000x128xi32>
    %and3A = arith.andi %eq3A_14, %lt3A_15 : vector<10000x128xi1>
    %or3A = arith.ori %gt3A_12, %and3A : vector<10000x128xi1>
    %get3A_16 = arith.constant 0 : index
    %get3A_17 = arith.constant 0 : index
    %get3A_18 = vector.load %arg6[%get3A_16, %get3A_17] : memref<1x128xi32, #tpu.memory_space<vmem>>, vector<1x128xi32>
    %convert_element_type3A_19 = arith.extui %or3A : vector<10000x128xi1> to vector<10000x128xi32>
    %reduce_sum3A = arith.constant dense<0> : vector<128xi32>
    %reduce_sum3A_20 = vector.multi_reduction <add>, %convert_element_type3A_19, %reduce_sum3A [0] : vector<10000x128xi32> to vector<128xi32>
    %broadcast_in_dim3A = vector.shape_cast %reduce_sum3A_20 : vector<128xi32> to vector<1x128xi32>
    %add3A_21 = arith.addi %get3A_18, %broadcast_in_dim3A : vector<1x128xi32>
    %swap3A = arith.constant 0 : index
    %swap3A_22 = arith.constant 0 : index
    %swap3A_23 = vector.load %arg6[%swap3A, %swap3A_22] : memref<1x128xi32, #tpu.memory_space<vmem>>, vector<1x128xi32>
    tpu.vector_store %arg6[%swap3A, %swap3A_22], %add3A_21 {strides = array<i32>} : memref<1x128xi32, #tpu.memory_space<vmem>>, vector<1x128xi32>,
    %eq3A_24 = arith.constant 9 : i32
    %eq3A_25 = arith.cmpi eq, %arg0, %eq3A_24 : i32
    %convert_element_type3A_26 = arith.extui %eq3A_25 : i1 to i32
    %cond3A_27 = arith.constant 0 : i32
    %cond3A_28 = arith.cmpi ne, %convert_element_type3A_26, %cond3A_27 : i32
    scf.if %cond3A_28 {
      %get3A_29 = arith.constant 0 : index
      %get3A_30 = arith.constant 0 : index
      %get3A_31 = vector.load %arg6[%get3A_29, %get3A_30] : memref<1x128xi32, #tpu.memory_space<vmem>>, vector<1x128xi32>
      %lt3A_32 = arith.constant 1 : i32
      %lt3A_33 = vector.broadcast %lt3A_32 : i32 to vector<1x128xi32>
      %lt3A_34 = arith.cmpi slt, %get3A_31, %lt3A_33 : vector<1x128xi32>
      %convert_element_type3A_35 = arith.extui %lt3A_34 : vector<1x128xi1> to vector<1x128xi32>
      %convert_element_type3A_36 = arith.sitofp %convert_element_type3A_35 : vector<1x128xi32> to vector<1x128xf32>
      %reduce_sum3A_37 = vector.shape_cast %convert_element_type3A_36 : vector<1x128xf32> to vector<1x1x128xf32>
      %reduce_sum3A_38 = arith.constant dense<0.000000e+00> : vector<1xf32>
      %reduce_sum3A_39 = vector.multi_reduction <add>, %reduce_sum3A_37, %reduce_sum3A_38 [1, 2] : vector<1x1x128xf32> to vector<1xf32>
      %reduce_sum3A_40 = vector.shape_cast %reduce_sum3A_39 : vector<1xf32> to vector<1x1x1xf32>
      %reduce_sum3A_41 = vector.extract %reduce_sum3A_40[0, 0, 0] : f32 from vector<1x1x1xf32>
      %mul3A_42 = arith.constant 7.812500e-01 : f32
      %mul3A_43 = arith.mulf %reduce_sum3A_41, %mul3A_42 : f32
      %swap3A_44 = arith.constant 0 : index
      %swap3A_45 = memref.load %arg4[%swap3A_44] : memref<1xf32, #tpu.memory_space<smem>>
      memref.store %mul3A_43, %arg4[%swap3A_44] : memref<1xf32, #tpu.memory_space<smem>>
      %lt3A_46 = arith.constant 5 : i32
      %lt3A_47 = vector.broadcast %lt3A_46 : i32 to vector<1x128xi32>
      %lt3A_48 = arith.cmpi slt, %get3A_31, %lt3A_47 : vector<1x128xi32>
      %convert_element_type3A_49 = arith.extui %lt3A_48 : vector<1x128xi1> to vector<1x128xi32>
      %convert_element_type3A_50 = arith.sitofp %convert_element_type3A_49 : vector<1x128xi32> to vector<1x128xf32>
      %reduce_sum3A_51 = vector.shape_cast %convert_element_type3A_50 : vector<1x128xf32> to vector<1x1x128xf32>
      %reduce_sum3A_52 = arith.constant dense<0.000000e+00> : vector<1xf32>
      %reduce_sum3A_53 = vector.multi_reduction <add>, %reduce_sum3A_51, %reduce_sum3A_52 [1, 2] : vector<1x1x128xf32> to vector<1xf32>
      %reduce_sum3A_54 = vector.shape_cast %reduce_sum3A_53 : vector<1xf32> to vector<1x1x1xf32>
      %reduce_sum3A_55 = vector.extract %reduce_sum3A_54[0, 0, 0] : f32 from vector<1x1x1xf32>
      %mul3A_56 = arith.constant 7.812500e-01 : f32
      %mul3A_57 = arith.mulf %reduce_sum3A_55, %mul3A_56 : f32
      %swap3A_58 = arith.constant 0 : index
      %swap3A_59 = memref.load %arg5[%swap3A_58] : memref<1xf32, #tpu.memory_space<smem>>
      memref.store %mul3A_57, %arg5[%swap3A_58] : memref<1xf32, #tpu.memory_space<smem>>
    } else {
    }
    return
  }
  func.func @transform_0(%arg0: i32) -> (i32, i32) {
    %c0_i32 = arith.constant 0 : i32
    %c0_i32_0 = arith.constant 0 : i32
    return %arg0, %c0_i32 : i32, i32
  }
  func.func @transform_1(%arg0: i32) -> (i32, i32) {
    %c0_i32 = arith.constant 0 : i32
    %c0_i32_0 = arith.constant 0 : i32
    %c0_i32_1 = arith.constant 0 : i32
    return %c0_i32, %c0_i32_0 : i32, i32
  }
  func.func @transform_2(%arg0: i32) -> (i32, i32) {
    %c0_i32 = arith.constant 0 : i32
    %c0_i32_0 = arith.constant 0 : i32
    %c0_i32_1 = arith.constant 0 : i32
    return %c0_i32, %c0_i32_0 : i32, i32
  }
  func.func @transform_3(%arg0: i32) -> i32 {
    %c0_i32 = arith.constant 0 : i32
    %c0_i32_0 = arith.constant 0 : i32
    return %c0_i32 : i32
  }
  func.func @transform_4(%arg0: i32) -> i32 {
    %c0_i32 = arith.constant 0 : i32
    %c0_i32_0 = arith.constant 0 : i32
    return %c0_i32 : i32
  }
}

</mosaic_0001>

<sc_bundles>
// kernel: kernel.4.cloned.1.call-start
scs
__scs_entry_jumppad:
0x0: {  	(pc) =	sbr.rel $0x88, $3  }
0x1: {  	(tag) =	ssettag $0x0;
	lr =	simm.s32 $0x1  }
0x2: {  	[smem:$0x3F9F] =	sst lr;
	_ =	strace $0xD0000000  }
0x3: {  	_ = 	snop  }
0x4: {  	_ = 	snop  }
0x5: {  	_ = 	snop  }
0x6: {  	_ = 	snop  }
0x7: {  	_ = 	snop  }
__scs_overlays_trampoline_lowered:
0x8: {  	[smem:$0x3FAE] =	sst s0  }
0x9: {  	[smem:$0x3FAF] =	sst s1  }
0xa: {  	[smem:$0x3FB0] =	sst s2  }
0xb: {  	[smem:$0x3FB1] =	sst s3  }
0xc: {  	[smem:$0x3FB2] =	sst s4  }
0xd: {  	[smem:$0x3FB3] =	sst s5  }
0xe: {  	[smem:$0x3FB4] =	sst s6  }
0xf: {  	[smem:$0x3FB5] =	sst s7  }
0x10: {  	[smem:$0x3FB6] =	sst s8  }
0x11: {  	[smem:$0x3FB7] =	sst s9;
	s0 =	simm.s32 @!p0 $0x0  }
0x12: {  	s1 =	sld [smem:$0x3F9D];
	s0 =	simm.s32 @p0 $0x1  }
0x13: {  	[smem:$0x3FB8] =	sst s0;
	s0 =	simm.s32 @!p1 $0x0  }
0x14: {  	s2 =	sld [smem:$0x3F9C];
	s0 =	simm.s32 @p1 $0x1  }
0x15: {  	[smem:$0x3FB9] =	sst s0;
	s0 =	simm.s32 @!p2 $0x0  }
0x16: {  	s3 =	sld [smem:$0x3FDB];
	s0 =	simm.s32 @p2 $0x1  }
0x17: {  	s4 =	simm.s32 $0x1BF5;
	[smem:$0x3FBB] =	sst s0  }
0x18: {  	s0 =	sld [smem:$0x3F9E];
	_ =	swait.ge [sflag:s4], $0x0  }
0x19: {  	s7 =	sld [smem:$0x3F9F]  }
0x1a: {  	s8 =	sadd.s32 $0xFFFFE003, lr  }
0x1b: {  	s9 =	sadd.s32 $0xFFFFFEF7, lr;
	s5 =	simm.s32 $0xFFFFFFFF;
	p2 =	slt.u32 s8, $0xFFFFF086  }
0x1c: {  	p1 =	slt.u32 s9, $0xF7A;
	s5 =	simm.s32 @!p2 $0x0  }
0x1d: {  	s5 =	simm.s32 @p1 $0x1;
	p0 =	seq.s32 s7, s2  }
0x1e: {  	s7 =	smul.u32 @!p0 $0xF7A, s2;
	p2 =	seq.s32 @!p0 s5, $0x0  }
0x1f: {  	s9 =	smul.u32 $0xF7A, s1;
	s8 =	simm.s32 @!p0 $0x1BF5;
	p2 =	por !p2, p0  }
0x20: {  	[sflag:s8] =	ssyncset.s32 @!p0 $0xFFFFF086;
	s6 =	sadd.s32 @!p0 s3, s7;
	s7 =	simm.s32 @!p0 $0x108  }
0x21: {  	s3 =	sadd.s32 s3, s9;
	s6 =	sadd.s32 @!p0 $0x88, s6;
	s7 =	simm.s32 @p2 $0x1082  }
0x22: {  	[simem:s7], [sflag:s8] =	dma.local @!p0 [hbm:s6], $0xF7A  }
0x23: {  	s9 =	sor.u32 $0xD0000000, s2;
	s6 =	simm.s32 $0x108;
	_ =	swait.ge @!p0 [sflag:s8], $0x0  }
0x24: {  	s3 =	sadd.s32 $0x88, s3;
	s6 =	simm.s32 @!p1 $0x1082;
	[sflag:s4] =	ssyncset.s32 $0xFFFFF086  }
0x25: {  	[simem:s6], [sflag:s4] =	dma.local [hbm:s3], $0xF7A  }
0x26: {  	[smem:$0x3F9F] =	sst s1;
	(tag) =	ssettag s2;
	_ =	strace s9  }
0x27: {  	s1 =	sld [smem:$0x3FAF]  }
0x28: {  	s2 =	sld [smem:$0x3FB0]  }
0x29: {  	s4 =	sld [smem:$0x3FB2]  }
0x2a: {  	p0 =	seq.s32 s5, $0x0;
	s5 =	sld [smem:$0x3FB3]  }
0x2b: {  	s6 =	sld [smem:$0x3FB4]  }
0x2c: {  	s7 =	sld [smem:$0x3FB5]  }
0x2d: {  	s3 =	simm.s32 $0x108;
	s8 =	sld [smem:$0x3FB6]  }
0x2e: {  	s3 =	simm.s32 @!p0 $0x1082;
	s9 =	sld [smem:$0x3FB7]  }
0x2f: {  	lr =	sadd.s32 s0, s3;
	s0 =	sld [smem:$0x3FAE]  }
0x30: {  	s3 =	sld [smem:$0x3FB1]  }
0x31: {  	[smem:$0x3FBA] =	sst s10  }
0x32: {  	s10 =	sld [smem:$0x3FB8];
	_ =	sdelay $0x3  }
0x33: {  	p0 =	seq.s32 s10, $0x1;
	s10 =	sld [smem:$0x3FBA];
	_ =	sdelay $0x3  }
0x34: {  	[smem:$0x3FBA] =	sst s10  }
0x35: {  	s10 =	sld [smem:$0x3FB9];
	_ =	sdelay $0x3  }
0x36: {  	p1 =	seq.s32 s10, $0x1;
	s10 =	sld [smem:$0x3FBA];
	_ =	sdelay $0x3  }
0x37: {  	[smem:$0x3FBA] =	sst s10  }
0x38: {  	s10 =	sld [smem:$0x3FBB]  }
0x39: {  	_ = 	snop;
	(pc) =	sbr.ind lr, $3  }
0x3a: {  	_ = 	snop  }
0x3b: {  	_ = 	snop  }
0x3c: {  	p2 =	seq.s32 s10, $0x1;
	s10 =	sld [smem:$0x3FBA]  }
0x3d: {  	_ =	shalt  }
0x3e: {  	_ =	shalt  }
0x3f: {  	_ =	shalt  }
0x40: {  	_ =	shalt  }
0x41: {  	_ =	shalt  }
0x42: {  	_ =	shalt  }
0x43: {  	_ =	shalt  }
0x44: {  	_ =	shalt  }
0x45: {  	_ =	shalt  }
0x46: {  	_ =	shalt  }
0x47: {  	_ =	shalt  }
0x48: {  	_ =	shalt  }
0x49: {  	_ =	shalt  }
0x4a: {  	_ =	shalt  }
0x4b: {  	_ =	shalt  }
0x4c: {  	_ =	shalt  }
0x4d: {  	_ =	shalt  }
0x4e: {  	_ =	shalt  }
0x4f: {  	_ =	shalt  }
0x50: {  	_ =	shalt  }
0x51: {  	_ =	shalt  }
0x52: {  	_ =	shalt  }
0x53: {  	_ =	shalt  }
0x54: {  	_ =	shalt  }
0x55: {  	_ =	shalt  }
0x56: {  	_ =	shalt  }
0x57: {  	_ =	shalt  }
0x58: {  	_ =	shalt  }
0x59: {  	_ =	shalt  }
0x5a: {  	_ =	shalt  }
0x5b: {  	_ =	shalt  }
0x5c: {  	_ =	shalt  }
0x5d: {  	_ =	shalt  }
0x5e: {  	_ =	shalt  }
0x5f: {  	_ =	shalt  }
0x60: {  	_ =	shalt  }
0x61: {  	_ =	shalt  }
0x62: {  	_ =	shalt  }
0x63: {  	_ =	shalt  }
0x64: {  	_ =	shalt  }
0x65: {  	_ =	shalt  }
0x66: {  	_ =	shalt  }
0x67: {  	_ =	shalt  }
0x68: {  	_ =	shalt  }
0x69: {  	_ =	shalt  }
0x6a: {  	_ =	shalt  }
0x6b: {  	_ =	shalt  }
0x6c: {  	_ =	shalt  }
0x6d: {  	_ =	shalt  }
0x6e: {  	_ =	shalt  }
0x6f: {  	_ =	shalt  }
0x70: {  	_ =	shalt  }
0x71: {  	_ =	shalt  }
0x72: {  	_ =	shalt  }
0x73: {  	_ =	shalt  }
0x74: {  	_ =	shalt  }
0x75: {  	_ =	shalt  }
0x76: {  	_ =	shalt  }
0x77: {  	_ =	shalt  }
0x78: {  	_ =	shalt  }
0x79: {  	_ =	shalt  }
0x7a: {  	_ =	shalt  }
0x7b: {  	_ =	shalt  }
0x7c: {  	_ =	shalt  }
0x7d: {  	_ =	shalt  }
0x7e: {  	_ =	shalt  }
0x7f: {  	_ =	shalt  }
0x80: {  	_ =	shalt  }
0x81: {  	_ =	shalt  }
0x82: {  	_ =	shalt  }
0x83: {  	_ =	shalt  }
0x84: {  	_ =	shalt  }
0x85: {  	_ =	shalt  }
0x86: {  	_ =	shalt  }
0x87: {  	_ =	shalt  }
.Lfunc_end0:
.L_simem_size_0:
called_computation_lowered:
.L_overlay_start_0:
0x88: {  	s2 =	sld [smem:$0x3FD9]  }
0x89: {  	s3 =	sld [smem:$0x3FFE];
	_ =	sdelay $0x1  }
0x8a: {  	s1 =	srdreg.scid  }
0x8b: {  	s0 =	sand.u32 $0x1, s1  }
0x8c: {  	s15 =	sshll.u32 s0, $0xA;
	s2 =	sadd.s32 s3, s2  }
0x8d: {  	s2 =	sadd.s32 s2, s15  }
0x8e: {  	[smem:$0x3FC6] =	sst s2  }
0x8f: {  	_ = 	snop  }
0x90: {  	s2 =	sld [smem:$0x3FD0];
	_ =	sdelay $0x1  }
0x91: {  	s16 =	sld [smem:$0x3FC9]  }
0x92: {  	s5 =	simm.s32 $0xA;
	s6 =	simm.s32 $0x10;
	s4 =	sld [smem:$0x3FC8]  }
0x93: {  	[smem:s6], [sflag:s5] =	dma.local [hbm:s2], $0x1  }
0x94: {  	_ =	swait.eq [sflag:s5], $0x1  }
0x95: {  	[sflag:s5] =	ssyncset.done $0x0  }
0x96: {  	[sflag:s5] =	ssyncadd.s32 $0xFFFFFFFF  }
0x97: {  	s17 =	sld [smem:$0x11];
	(tm) =	ssettm $0x1  }
0x98: {  	s18 =	sld [smem:$0x3FFB];
	_ =	sdelay $0x3  }
0x99: {  	_ =	strace s18  }
0x9a: {  	s5 =	sld [smem:$0x3FFC];
	_ =	sdelay $0x3  }
0x9b: {  	_ =	strace s5  }
0x9c: {  	s5 =	sld [smem:$0x3FFD];
	_ =	sdelay $0x3  }
0x9d: {  	_ =	strace s5  }
0x9e: {  	_ =	strace $0x8FFFFFFF  }
0x9f: {  	s19 =	sld [smem:$0x3FDB];
	_ =	sdelay $0x1  }
0xa0: {  	s20 =	simm.s32 $_scs_section_size  }
0xa1: {  	s7 =	simm.s32 $_size__tile_overlayer_lowered;
	s8 =	simm.s32 $_tile_overlayer_lowered  }
0xa2: {  	s23 =	simm.s32 $0x1BFF;
	s22 =	sshll.u32 s8, $0x1;
	s5 =	sadd.s32 s20, s19  }
0xa3: {  	s9 =	simm.s32 $0x0;
	s21 =	sshll.u32 s7, $0x1;
	s7 =	sadd.s32 s22, s5  }
0xa4: {  	[timem:s9], [sflag:s23] =	dma.local [hbm:s7], s21  }
0xa5: {  	_ =	swait.ge [sflag:s23], s21  }
0xa6: {  	s6 =	ssub.s32 $0x0, s21;
	[sflag:s23] =	ssyncset.done $0x0  }
0xa7: {  	[sflag:s23] =	ssyncadd.s32 s6;
	_ =	sdelay $0x1  }
0xa8: {  	s24 =	simm.s32 $0x1B8B  }
0xa9: {  	_ =	swait.ge [sflag:s24], $0x1  }
0xaa: {  	[sflag:s24] =	ssyncset.done $0x0  }
0xab: {  	s25 =	simm.s32 $0x1B8E;
	[sflag:s24] =	ssyncadd.s32 $0xFFFFFFFF  }
0xac: {  	s26 =	simm.s32 $execute0_lowered;
	[smem:$0x3FD2] =	sst s25  }
0xad: {  	s6 =	sshll.u32 s26, $0x1;
	_ =	strace $0x80000046;
	[dreg:$0x1] =	wrdreg $0xFFFFFFFF  }
0xae: {  	s28 =	simm.s32 $_size_execute0_lowered;
	s5 =	sadd.s32 s5, s6;
	[dreg:$0x0] =	wrdreg $0x0  }
0xaf: {  	s6 =	sshll.u32 s28, $0x1;
	[dreg:$0x2] =	wrdreg s5  }
0xb0: {  	[dreg:$0x3] =	wrdreg s6  }
0xb1: {  	[dreg:$0x4] =	wrdreg $0xC0  }
0xb2: {  	_ =	task [dreg:s9], $0x5FFFF  }
0xb3: {  	[dreg:$0x1] =	wrdreg $0xFFFFFFFF  }
0xb4: {  	[dreg:$0x0] =	wrdreg $0x60  }
0xb5: {  	[dreg:$0x2] =	wrdreg s16  }
0xb6: {  	[dreg:$0x3] =	wrdreg s4  }
0xb7: {  	[dreg:$0x4] =	wrdreg s17  }
0xb8: {  	[dreg:$0x5] =	wrdreg $0x9  }
0xb9: {  	_ =	task.clear_ibuf [dreg:s9], $0x6FFFF;
	_ =	strace $0x90000046  }
0xba: {  	s29 =	simm.s32 $0x9;
	_ =	strace $0x80000048  }
0xbb: {  	_ =	swait.ge [sflag:s29], $0x1  }
0xbc: {  	[sflag:s29] =	ssyncadd.s32 $0xFFFFFFFF  }
0xbd: {  	_ =	strace $0x90000048  }
0xbe: {  	_ =	sfence  }
0xbf: {  	s30 =	sld [smem:$0x0];
	_ =	sdelay $0x2  }
0xc0: {  	s31 =	sshll.u32 s1, $0xD;
	s1 =	sshrl.u32 s1, $0x2  }
0xc1: {  	s3 =	sand.u32 $0x4000, s31;
	s1 =	sadd.s32 s1, s30  }
0xc2: {  	s0 =	sor.u32 s3, s0;
	s1 =	sshll.u32 s1, $0x11  }
0xc3: {  	s0 =	sor.u32 s1, s0  }
0xc4: {  	s0 =	sadd.s32 $0x8F2B, s0  }
0xc5: {  	[sflag:s0] =	ssyncadd.remote.s32 $0x1  }
0xc6: {  	_ =	sfence.sel $0xFFFF  }
0xc7: {  	[dreg:$0x0] =	wrdreg $0xFFFFFFFF;
	(pc) =	sbr.abs _section_cstart, $3  }
0xc8: {  	[dreg:$0x1] =	wrdreg $0xFFFFFFFF  }
0xc9: {  	_ =	task.clear_ibuf [dreg:s9], $0x2FFFF;
	_ =	strace $0x9FFFFFFF  }
0xca: {  	(tm) =	ssettm $0x7FFFFFFF  }
0xcb: {  	_ =	shalt  }
tec
execute0_lowered:
.L_overlay_start_1:
0x0: {  	(tag) =	ssettag $0x1  }
0x1: {  	s1 =	stileid.u32  }
0x2: {  	p0 =	sgt.u32 s1, $0x3  }
.Ltmp0:
0x3: {  	s2 =	rddreg [dreg:$0x0];
	(pc) =	sbr.rel @p0 .LBB2_4-.Ltmp0, $4  }
0x4: {  	s4 =	rddreg [dreg:$0x1]  }
0x5: {  	s9 =	rddreg [dreg:$0x2];
	s3 =	simm.s32 $0x0  }
0x6: {  	[smem:$0x7FF] =	sst s3  }
0x7: {  	s0 =	rddreg [dreg:$0x3];
	_ =	strace $0x80000047  }
0x8: {  	s5 =	srdreg.scid  }
0x9: {  	s31 =	sshll.u32 s1, $0x1;
	s11 =	sand.u32 $0x1, s5  }
0xa: {  	s8 =	sor.u32 s11, s31  }
0xb: {  	s10 =	sshll.u32 s8, $0x1  }
0xc: {  	s5 =	sadd.s32 s4, s10;
	s4 =	simm.s32 $0x2  }
0xd: {  	[tilespmem:s3], [sflag:$0x2] =	stream.linear.gather [hbm4b:s5+s3], $0x10, $0x38;
	[tilespmem:$0x820] =	vst v63  }
0xe: {  	_ =	swait.ge [sflag:s4], $0x10  }
0xf: {  	[sflag:s4] =	ssyncset.done $0x0  }
0x10: {  	[sflag:s4] =	ssyncadd.s32 $0xFFFFFFF0  }
0x11: {  	v0 =	vld [tilespmem:$0x0];
	_ =	sdelay $0x6  }
0x12: {  	vm0 =	vmmov $0xffff;
	s6 =	simm.s32 $0x10;
	s7 =	simm.s32 $0x1  }
0x13: {  	[tilespmem:s6], [sflag:$0x1] =	stream.indirect_vreg.gather [hbm4b:s2+s3], $0x80, v0, vm0, $0xb8;
	[tilespmem:$0x820] =	vst v63  }
0x14: {  	_ =	swait.ge [sflag:s7], $0x800  }
0x15: {  	[sflag:s7] =	ssyncset.done $0x0  }
0x16: {  	s8 =	sshll.u32 s8, $0x4;
	[sflag:s7] =	ssyncadd.s32 $0xFFFFF800  }
0x17: {  	v8 =	vld [tilespmem:s8+$0x10]  }
0x18: {  	v1 =	vimm.s32 $0x1;
	vm1 =	vmmov $0x1;
	v9 =	vld [tilespmem:s8+$0x90]  }
0x19: {  	v2 =	vimm.s32 $0x2;
	vm2 =	vmmov $0x3;
	v3 =	vimm.s32 $0x3;
	v10 =	vld [tilespmem:s8+$0x110]  }
0x1a: {  	vm3 =	vmmov $0x7;
	v4 =	vimm.s32 $0x4;
	vm4 =	vmmov $0xf;
	v11 =	vld [tilespmem:s8+$0x190]  }
0x1b: {  	v5 =	vimm.s32 $0x5;
	vm5 =	vmmov $0x1f;
	v6 =	vimm.s32 $0x6;
	v12 =	vld [tilespmem:s8+$0x210]  }
0x1c: {  	vm6 =	vmmov $0x3f;
	v7 =	vimm.s32 $0x7;
	v0 =	vimm.s32 $0x0;
	v13 =	vld [tilespmem:s8+$0x290]  }
0x1d: {  	vm7 =	vmmov $0x7f;
	v15 =	vld [tilespmem:s8+$0x310];
	v14 =	vperm.xlane v8, v0;
	v16 =	vperm.xlane v9, v1  }
0x1e: {  	vm8 =	vmmov $0xff;
	vm9 =	vmmov $0x1ff;
	v17 =	vld [tilespmem:s8+$0x390];
	v10 =	vperm.xlane v10, v2  }
0x1f: {  	vm10 =	vmmov $0x3ff;
	v18 =	vld [tilespmem:s8+$0x410];
	v11 =	vperm.xlane v11, v3;
	v14 =	vsel vm1, v14, v16  }
0x20: {  	vm11 =	vmmov $0x7ff;
	v12 =	vperm.xlane v12, v4;
	v16 =	vld [tilespmem:s8+$0x490];
	v14 =	vsel vm2, v14, v10  }
0x21: {  	vm12 =	vmmov $0xfff;
	v19 =	vld [tilespmem:s8+$0x510];
	v13 =	vperm.xlane v13, v5;
	v11 =	vsel vm3, v14, v11  }
0x22: {  	vm13 =	vmmov $0x1fff;
	v14 =	vperm.xlane v15, v6;
	v15 =	vld [tilespmem:s8+$0x590];
	v12 =	vsel vm4, v11, v12  }
0x23: {  	v20 =	vld [tilespmem:s8+$0x610];
	v8 =	vimm.s32 $0x8;
	v17 =	vperm.xlane v17, v7;
	v12 =	vsel vm5, v12, v13  }
0x24: {  	v61 =	vld [tilespmem:s8+$0x690];
	v9 =	vimm.s32 $0x9;
	v13 =	vperm.xlane v18, v8;
	v14 =	vsel vm6, v12, v14  }
0x25: {  	v21 =	vld [tilespmem:s8+$0x710];
	v10 =	vimm.s32 $0xA;
	v16 =	vperm.xlane v16, v9;
	v14 =	vsel vm7, v14, v17  }
0x26: {  	s11 =	ssub.s32 $0x2, s11;
	v62 =	vld [tilespmem:s8+$0x790];
	v11 =	vimm.s32 $0xB;
	v17 =	vperm.xlane v19, v10;
	v14 =	vsel vm8, v14, v13  }
0x27: {  	s12 =	sshrl.u32 s11, $0x1;
	v12 =	vimm.s32 $0xC;
	v15 =	vperm.xlane v15, v11;
	v14 =	vsel vm9, v14, v16  }
0x28: {  	s11 =	ssub.s32 s11, s12;
	v13 =	vimm.s32 $0xD;
	v16 =	vperm.xlane v20, v12;
	v17 =	vsel vm10, v14, v17  }
0x29: {  	s11 =	smax.u32 s11, $0x1;
	v18 =	vperm.xlane v61, v13;
	v14 =	vimm.s32 $0xE;
	v17 =	vsel vm11, v17, v15  }
0x2a: {  	p0 =	sne.s32 s11, $0x1;
	v15 =	vimm.s32 $0xF;
	v63 =	vperm.xlane v21, v14;
	v16 =	vsel vm12, v17, v16  }
.Ltmp1:
0x2b: {  	vm14 =	vmmov $0x3fff;
	v17 =	vperm.xlane v62, v15;
	v16 =	vsel vm13, v16, v18;
	(pc) =	sbr.rel @!p0 .LBB2_3-.Ltmp1, $4  }
0x2c: {  	vm15 =	vmmov $0x7fff;
	v16 =	vsel vm14, v16, v63  }
0x2d: {  	v16 =	vsel vm15, v16, v17  }
0x2e: {  	s9 =	sadd.s32 s9, s10;
	s10 =	simm.s32 $0x810;
	s11 =	sadd.s32 $0xFFFFFFFF, s11;
	[tilespmem:$0x810] =	vst v16  }
0x2f: {  	[hbm4b:s9+s3] =	stream.linear.scatter [tilespmem:s10], [sflag:$0x2], $0x10, $0x38;
	[tilespmem:$0x820] =	vst v63  }
.LBB2_2:
0x30: {  	p0 =	sne.s32 s11, $0x1;
	s11 =	sadd.s32 $0xFFFFFFFF, s11;
	_ =	swait.ge [sflag:s4], $0x10  }
0x31: {  	[sflag:s4] =	ssyncset.done $0x0  }
0x32: {  	[sflag:s4] =	ssyncadd.s32 $0xFFFFFFF0  }
0x33: {  	[tilespmem:s3], [sflag:$0x2] =	stream.linear.gather [hbm4b:s5+s3], $0x10, $0x38;
	[tilespmem:$0x820] =	vst v63  }
0x34: {  	_ =	swait.ge [sflag:s4], $0x10  }
0x35: {  	[sflag:s4] =	ssyncset.done $0x0  }
0x36: {  	[sflag:s4] =	ssyncadd.s32 $0xFFFFFFF0  }
0x37: {  	v16 =	vld [tilespmem:$0x0];
	_ =	sdelay $0x7  }
0x38: {  	[tilespmem:s6], [sflag:$0x1] =	stream.indirect_vreg.gather [hbm4b:s2+s3], $0x80, v16, vm0, $0xb8;
	[tilespmem:$0x820] =	vst v63  }
0x39: {  	_ =	swait.ge [sflag:s7], $0x800  }
0x3a: {  	[sflag:s7] =	ssyncset.done $0x0  }
0x3b: {  	[sflag:s7] =	ssyncadd.s32 $0xFFFFF800  }
0x3c: {  	v16 =	vld [tilespmem:s8+$0x110]  }
0x3d: {  	v17 =	vld [tilespmem:s8+$0x10]  }
0x3e: {  	v18 =	vld [tilespmem:s8+$0x90]  }
0x3f: {  	v19 =	vld [tilespmem:s8+$0x190]  }
0x40: {  	v20 =	vld [tilespmem:s8+$0x210]  }
0x41: {  	v21 =	vld [tilespmem:s8+$0x290]  }
0x42: {  	v17 =	vperm.xlane v17, v0;
	v22 =	vld [tilespmem:s8+$0x310]  }
0x43: {  	v16 =	vperm.xlane v16, v2;
	v18 =	vperm.xlane v18, v1;
	v23 =	vld [tilespmem:s8+$0x390]  }
0x44: {  	v19 =	vperm.xlane v19, v3;
	v24 =	vld [tilespmem:s8+$0x410]  }
0x45: {  	v17 =	vsel vm1, v17, v18;
	v18 =	vperm.xlane v20, v4;
	v20 =	vld [tilespmem:s8+$0x490]  }
0x46: {  	v16 =	vsel vm2, v17, v16;
	v17 =	vperm.xlane v21, v5;
	v21 =	vld [tilespmem:s8+$0x510]  }
0x47: {  	v16 =	vsel vm3, v16, v19;
	v19 =	vperm.xlane v22, v6;
	v22 =	vld [tilespmem:s8+$0x590]  }
0x48: {  	v16 =	vsel vm4, v16, v18;
	v18 =	vperm.xlane v23, v7;
	v23 =	vld [tilespmem:s8+$0x610]  }
0x49: {  	v16 =	vsel vm5, v16, v17;
	v17 =	vperm.xlane v24, v8;
	v24 =	vld [tilespmem:s8+$0x690]  }
0x4a: {  	v16 =	vsel vm6, v16, v19;
	v19 =	vperm.xlane v20, v9;
	v20 =	vld [tilespmem:s8+$0x710]  }
0x4b: {  	v16 =	vsel vm7, v16, v18;
	v18 =	vperm.xlane v21, v10;
	v21 =	vld [tilespmem:s8+$0x790]  }
0x4c: {  	v16 =	vsel vm8, v16, v17;
	v17 =	vperm.xlane v22, v11  }
0x4d: {  	v16 =	vsel vm9, v16, v19;
	v19 =	vperm.xlane v23, v12  }
0x4e: {  	v16 =	vsel vm10, v16, v18;
	v18 =	vperm.xlane v24, v13  }
0x4f: {  	v16 =	vsel vm11, v16, v17;
	v17 =	vperm.xlane v20, v14  }
0x50: {  	v16 =	vsel vm12, v16, v19;
	v19 =	vperm.xlane v21, v15  }
.Ltmp2:
0x51: {  	v16 =	vsel vm13, v16, v18;
	(pc) =	sbr.rel @p0 .LBB2_2-.Ltmp2, $4  }
0x52: {  	v16 =	vsel vm14, v16, v17  }
0x53: {  	v16 =	vsel vm15, v16, v19  }
0x54: {  	[tilespmem:$0x810] =	vst v16  }
0x55: {  	[hbm4b:s9+s3] =	stream.linear.scatter [tilespmem:s10], [sflag:$0x2], $0x10, $0x38;
	[tilespmem:$0x820] =	vst v63  }
.LBB2_3:
0x56: {  	_ =	swait.ge [sflag:s4], $0x10  }
0x57: {  	[sflag:s4] =	ssyncset.done $0x0  }
0x58: {  	[sflag:s4] =	ssyncadd.s32 $0xFFFFFFF0  }
.LBB2_4:
0x59: {  	_ =	sfence.sel $0x180000  }
0x5a: {  	[bflag:$0x0] =	sbarrier.arrive $0xFFFF  }
0x5b: {  	p0 =	sne.s32 s1, $0x0;
	_ =	strace $0x90000047  }
0x5c: {  	s0 =	sadd.s32 @!p0 $0x100000, s0;
	[bflag:$0x2] =	sbarrier.arrive $0xFFFF  }
0x5d: {  	[sflag:s0] =	ssyncadd.tile.s32 @!p0 $0x1;
	_ =	shalt  }
.Lfunc_end2:
_tile_overlayer_lowered:
.L_overlay_start_2:
0x5e: {  	(tag) =	ssettag $0x2  }
0x5f: {  	s0 =	rddreg [dreg:$0x0];
	s2 =	stileid.u32  }
0x60: {  	s1 =	rddreg [dreg:$0x1];
	p0 =	sne.s32 s2, $0x0  }
0x61: {  	s3 =	rddreg [dreg:$0x2];
	[bflag:$0x3] =	sbarrier.arrive $0xFFFF;
	s2 =	simm.s32 @!p0 $0x1C02  }
0x62: {  	[timem:s3], [sflag:s2] =	dma.local @!p0 [hbm:s0], s1  }
0x63: {  	s0 =	simm.s32 @!p0 $0x2  }
0x64: {  	_ =	swait.ge @!p0 [sflag:s0], s1  }
0x65: {  	s1 =	ssub.s32 @!p0 $0x0, s1;
	[sflag:s0] =	ssyncset.done @!p0 $0x0  }
0x66: {  	[sflag:s0] =	ssyncadd.s32 @!p0 s1  }
0x67: {  	[bflag:$0x3] =	sbarrier.arrive $0xFFFF  }
0x68: {  	_ =	shalt  }

</sc_bundles>
